<compile_context>
chip_gen: v7x
topology: tpu7x:2x2x1
jax: 0.10.2.dev20260603
libtpu: 0.0.44.dev20260713+nightly
codegen_flags: <defaults>
</compile_context>

<pallas_src>
import functools

import jax
import jax.numpy as jnp
from jax import lax
from jax.experimental import pallas as pl
from jax.experimental.pallas import tpu as pltpu
from jax.experimental.pallas import tpu_sc as plsc

N_NODES = 10000
N_EDGES = 320000
D = 128
D_EDGE = 16
NUM_SPECIES = 100
CUTOFF = 5.0

NC = 2
NS = 16
NW = NC * NS
EPW = N_EDGES // NW
SLICES = ((0, 192000), (192000, 128000))
NSLICE = len(SLICES)
DH = D // NC
CH = 1000
ROW_CH = 1000
N_ROW_CH = N_NODES // ROW_CH

E_BLK = 1600
N_EBLK = N_EDGES // E_BLK

NODE_BLK = 1000
N_NBLK = N_NODES // NODE_BLK


def _sc_mesh():
    return plsc.VectorSubcoreMesh(
        core_axis_name="c", subcore_axis_name="s", num_cores=NC,
        num_subcores=NS)


def _zj_body(node_z_hbm, senders_hbm, zj_hbm, nz_v, snd_v, out_v):
    c = lax.axis_index("c")
    s = lax.axis_index("s")
    wid = c * NS + s
    base = wid * EPW
    pltpu.sync_copy(node_z_hbm, nz_v)
    pltpu.sync_copy(senders_hbm.at[pl.ds(base, EPW)], snd_v)

    def body(i, _):
        idx = snd_v[pl.ds(i * 16, 16)]
        out_v[pl.ds(i * 16, 16)] = plsc.load_gather(nz_v, [idx])
        return 0

    lax.fori_loop(0, EPW // 16, body, 0)
    pltpu.sync_copy(out_v, zj_hbm.at[pl.ds(base, EPW)])


def _gather_zj(node_z, senders):
    return pl.kernel(
        _zj_body,
        out_type=jax.ShapeDtypeStruct((N_EDGES,), jnp.int32),
        mesh=_sc_mesh(),
        scratch_types=[
            pltpu.VMEM((N_NODES,), jnp.int32),
            pltpu.VMEM((EPW,), jnp.int32),
            pltpu.VMEM((EPW,), jnp.int32),
        ],
        compiler_params=pltpu.CompilerParams(needs_layout_passes=False),
    )(node_z, senders)


def _msg_body(z_ref, ew_ref, ef_ref, emb_ref, wd_ref, bd_ref, m_ref):
    z = z_ref[0, 0]
    ew = ew_ref[0, 0]
    ef = ef_ref[...]
    cvals = 0.5 * (jnp.cos(ew * (jnp.pi / CUTOFF)) + 1.0)
    cvals = jnp.where(ew < CUTOFF, cvals, 0.0)
    onehot = (lax.broadcasted_iota(jnp.int32, (E_BLK, NUM_SPECIES), 1)
              == z[:, None]).astype(jnp.float32)
    xj = jnp.dot(onehot, emb_ref[...], preferred_element_type=jnp.float32)
    p = jnp.dot(ef, wd_ref[...], preferred_element_type=jnp.float32)
    p = p + bd_ref[...]
    m_ref[...] = xj * p * cvals[:, None]


def _messages(z_j3, ew3, edge_feats, emb_table, W_dist, b_dist, blk0, size):
    n_blk = size // E_BLK
    return pl.pallas_call(
        _msg_body,
        grid=(n_blk,),
        in_specs=[
            pl.BlockSpec((1, 1, E_BLK), lambda i: (i + blk0, 0, 0)),
            pl.BlockSpec((1, 1, E_BLK), lambda i: (i + blk0, 0, 0)),
            pl.BlockSpec((E_BLK, D_EDGE), lambda i: (i + blk0, 0)),
            pl.BlockSpec((NUM_SPECIES, D), lambda i: (0, 0)),
            pl.BlockSpec((D_EDGE, D), lambda i: (0, 0)),
            pl.BlockSpec((1, D), lambda i: (0, 0)),
        ],
        out_specs=pl.BlockSpec((E_BLK, D), lambda i: (i, 0)),
        out_shape=jax.ShapeDtypeStruct((size, D), jnp.float32),
    )(z_j3, ew3, edge_feats, emb_table, W_dist, b_dist.reshape(1, D))


def _seg_body(slice_base, ept, recv_hbm, m_hbm, out_hbm, agg_sh, ridx_v, m_v):
    c = lax.axis_index("c")
    s = lax.axis_index("s")
    base = s * ept
    col = c * DH

    def zrow(i, _):
        for k in range(DH // 16):
            m_v[i, pl.ds(k * 16, 16)] = jnp.zeros((16,), jnp.float32)
        return 0

    lax.fori_loop(0, ROW_CH, zrow, 0)

    def zchunk(k, _):
        j = s + k * NS

        @pl.when(j < N_ROW_CH)
        def _():
            pltpu.sync_copy(m_v, agg_sh.at[pl.ds(j * ROW_CH, ROW_CH)])
        return 0

    lax.fori_loop(0, (N_ROW_CH + NS - 1) // NS, zchunk, 0)
    plsc.subcore_barrier()

    def chunk(j, _):
        off = base + j * CH
        pltpu.sync_copy(recv_hbm.at[pl.ds(slice_base + off, CH)], ridx_v)
        pltpu.sync_copy(m_hbm.at[pl.ds(off, CH), pl.ds(col, DH)], m_v)
        pltpu.sync_copy(m_v, agg_sh.at[ridx_v], add=True)
        return 0

    lax.fori_loop(0, ept // CH, chunk, 0)
    plsc.subcore_barrier()

    def drain(k, _):
        j = s + k * NS

        @pl.when(j < N_ROW_CH)
        def _():
            pltpu.sync_copy(agg_sh.at[pl.ds(j * ROW_CH, ROW_CH)], m_v)
            pltpu.sync_copy(
                m_v, out_hbm.at[pl.ds(j * ROW_CH, ROW_CH), pl.ds(col, DH)])
        return 0

    lax.fori_loop(0, (N_ROW_CH + NS - 1) // NS, drain, 0)


def _segment_sum(receivers, m, slice_base):
    return pl.kernel(
        functools.partial(_seg_body, slice_base, m.shape[0] // NS),
        out_type=jax.ShapeDtypeStruct((N_NODES, D), jnp.float32),
        mesh=_sc_mesh(),
        scratch_types=[
            pltpu.VMEM_SHARED((N_NODES, DH), jnp.float32),
            pltpu.VMEM((CH,), jnp.int32),
            pltpu.VMEM((ROW_CH, DH), jnp.float32),
        ],
        compiler_params=pltpu.CompilerParams(use_tc_tiling_on_sc=False),
    )(receivers, m)


def _comb_body(nf_ref, *rest):
    agg_refs = rest[:NSLICE]
    wt_ref, wb_ref, bc_ref, o_ref = rest[NSLICE:]
    agg = agg_refs[0][...]
    for a in agg_refs[1:]:
        agg = agg + a[...]
    o_ref[...] = (
        jnp.dot(nf_ref[...], wt_ref[...], preferred_element_type=jnp.float32)
        + jnp.dot(agg, wb_ref[...], preferred_element_type=jnp.float32)
        + bc_ref[...])


def _combine(node_feats, aggs, W_comb, b_comb):
    return pl.pallas_call(
        _comb_body,
        grid=(N_NBLK,),
        in_specs=[
            pl.BlockSpec((NODE_BLK, D), lambda i: (i, 0)),
            *[pl.BlockSpec((NODE_BLK, D), lambda i: (i, 0))
              for _ in range(NSLICE)],
            pl.BlockSpec((D, D), lambda i: (0, 0)),
            pl.BlockSpec((D, D), lambda i: (0, 0)),
            pl.BlockSpec((1, D), lambda i: (0, 0)),
        ],
        out_specs=pl.BlockSpec((NODE_BLK, D), lambda i: (i, 0)),
        out_shape=jax.ShapeDtypeStruct((N_NODES, D), jnp.float32),
    )(node_feats, *aggs, W_comb[:D], W_comb[D:], b_comb.reshape(1, D))


def kernel(node_z, node_feats, senders, receivers, edge_weight, edge_feats,
           emb_table, W_dist, b_dist, W_comb, b_comb):
    node_z = node_z.astype(jnp.int32)
    senders = senders.astype(jnp.int32)
    receivers = receivers.astype(jnp.int32)
    ew3 = edge_weight.reshape(N_EBLK, 1, E_BLK)
    zj3 = _gather_zj(node_z, senders).reshape(N_EBLK, 1, E_BLK)
    aggs = []
    for off, size in SLICES:
        m_k = _messages(zj3, ew3, edge_feats,
                        emb_table, W_dist, b_dist, off // E_BLK, size)
        aggs.append(_segment_sum(receivers, m_k, off))
    return _combine(node_feats, aggs, W_comb, b_comb)

# --- scband reference (transcript-rebuilt; emitter-appended) ---
"""Pipeline reference for scband-neighbor-embedding-36146444763345 (READ-ONLY COPY).

The authoritative reference and input builder live on the scoring server;
editing this copy changes nothing except your own understanding.
"""

import jax, jax.numpy as jnp
import numpy as np

N_NODES = 10000
N_EDGES = 320000
D = 128
D_EDGE = 16
NUM_SPECIES = 100
CUTOFF = 5.0


def setup_inputs(seed: int = 0) -> dict:
    key = jax.random.key(seed)
    ks = jax.random.split(key, 9)
    node_z = jax.random.randint(ks[0], (N_NODES,), 0, NUM_SPECIES, dtype=jnp.int64 if jax.config.jax_enable_x64 else jnp.int32)
    node_feats = jax.random.normal(ks[1], (N_NODES, D), dtype=jnp.float32)
    senders = jax.random.randint(ks[2], (N_EDGES,), 0, N_NODES)
    receivers = jnp.sort(jax.random.randint(ks[3], (N_EDGES,), 0, N_NODES))
    edge_weight = jax.random.uniform(ks[4], (N_EDGES,), dtype=jnp.float32)
    edge_feats = jax.random.normal(ks[5], (N_EDGES, D_EDGE), dtype=jnp.float32)
    # learned parameters
    emb_table = jax.random.normal(ks[6], (NUM_SPECIES, D), dtype=jnp.float32) * 0.02
    W_dist = jax.random.normal(ks[7], (D_EDGE, D), dtype=jnp.float32) * (1.0 / np.sqrt(D_EDGE))
    b_dist = jnp.zeros((D,), dtype=jnp.float32)
    W_comb = jax.random.normal(ks[8], (2 * D, D), dtype=jnp.float32) * (1.0 / np.sqrt(2 * D))
    b_comb = jnp.zeros((D,), dtype=jnp.float32)
    return {
        "node_z": node_z,
        "node_feats": node_feats,
        "senders": senders,
        "receivers": receivers,
        "edge_weight": edge_weight,
        "edge_feats": edge_feats,
        "emb_table": emb_table,
        "W_dist": W_dist,
        "b_dist": b_dist,
        "W_comb": W_comb,
        "b_comb": b_comb,
    }


def reference(node_z, node_feats, senders, receivers, edge_weight, edge_feats,
              emb_table, W_dist, b_dist, W_comb, b_comb):
    # CosineCutoff
    C = 0.5 * (jnp.cos(edge_weight * jnp.pi / CUTOFF) + 1.0)
    C = C * (edge_weight < CUTOFF).astype(jnp.float32)
    # distance projection modulated by cutoff
    W = (edge_feats @ W_dist + b_dist) * C[:, jnp.newaxis]
    # species embedding, gathered per sender
    x_neighbors = emb_table[node_z]
    x_j = x_neighbors[senders]
    # message = x_j * W, aggregated by receiver (scatter-add)
    node_msgs = x_j * W
    aggregated_msgs = jax.ops.segment_sum(node_msgs, receivers, num_segments=node_feats.shape[0])
    # combine
    out = jnp.concatenate([node_feats, aggregated_msgs], axis=1) @ W_comb + b_comb
    return out

if __name__ == "__main__":
    import jax
    _d = setup_inputs()
    print(jax.jit(kernel)(*tuple(_d.values())))

</pallas_src>

<mosaic_0001>
#map = affine_map<(d0, d1) -> (0)>
module attributes {stable_mosaic.version = 14 : i64} {
  func.func @_zj_body(%arg0: i32, %arg1: i32, %arg2: memref<10000xi32, #tpu.memory_space<hbm>>, %arg3: memref<320000xi32, #tpu.memory_space<hbm>>, %arg4: memref<320000xi32, #tpu.memory_space<hbm>>, %arg5: memref<10000xi32, #tpu.memory_space<vmem>>, %arg6: memref<10000xi32, #tpu.memory_space<vmem>>, %arg7: memref<10000xi32, #tpu.memory_space<vmem>>) attributes {dimension_semantics = [#tpu.dimension_semantics<core_parallel>, #tpu.dimension_semantics<subcore_parallel>], iteration_bounds = array<i64: 2, 16>, scalar_prefetch = 0 : i64, scratch_operands = 3 : i64, tpu.core_type = #tpu.core_type<sc_vector_subcore>, window_params = [{transform_indices = #map}, {transform_indices = #map}, {transform_indices = #map}]} {
    %mul3A = arith.constant 16 : i32
    %mul3A_0 = arith.muli %arg0, %mul3A : i32
    %add3A = arith.addi %mul3A_0, %arg1 : i32
    %mul3A_1 = arith.constant 10000 : i32
    %mul3A_2 = arith.muli %add3A, %mul3A_1 : i32
    "tpu.region"() ({
      %run_scoped3A = tpu.sem_alloc : memref<!tpu.dma_semaphore, #tpu.memory_space<semaphore_mem>>
      tpu.enqueue_dma source(%arg2 : memref<10000xi32, #tpu.memory_space<hbm>>) target(%arg5 : memref<10000xi32, #tpu.memory_space<vmem>>) target_semaphore(%run_scoped3A : memref<!tpu.dma_semaphore, #tpu.memory_space<semaphore_mem>>)
      tpu.wait_dma2 semaphore(%run_scoped3A : memref<!tpu.dma_semaphore, #tpu.memory_space<semaphore_mem>>) src(%arg2 : memref<10000xi32, #tpu.memory_space<hbm>>) dst(%arg5 : memref<10000xi32, #tpu.memory_space<vmem>>)
      tpu.yield
    }) : () -> ()
    "tpu.region"() ({
      %run_scoped3A = tpu.sem_alloc : memref<!tpu.dma_semaphore, #tpu.memory_space<semaphore_mem>>
      %dma_start3A = tpu.memref_slice %arg3[%mul3A_2] : memref<320000xi32, #tpu.memory_space<hbm>> -> memref<10000xi32, #tpu.memory_space<hbm>>
      %dma_start3A_9 = tpu.memref_slice %arg3[%mul3A_2] : memref<320000xi32, #tpu.memory_space<hbm>> -> memref<10000xi32, #tpu.memory_space<hbm>>
      tpu.enqueue_dma source(%dma_start3A_9 : memref<10000xi32, #tpu.memory_space<hbm>>) target(%arg6 : memref<10000xi32, #tpu.memory_space<vmem>>) target_semaphore(%run_scoped3A : memref<!tpu.dma_semaphore, #tpu.memory_space<semaphore_mem>>)
      %dma_wait3A = tpu.memref_slice %arg3[%mul3A_2] : memref<320000xi32, #tpu.memory_space<hbm>> -> memref<10000xi32, #tpu.memory_space<hbm>>
      %dma_wait3A_10 = tpu.memref_slice %arg3[%mul3A_2] : memref<320000xi32, #tpu.memory_space<hbm>> -> memref<10000xi32, #tpu.memory_space<hbm>>
      tpu.wait_dma2 semaphore(%run_scoped3A : memref<!tpu.dma_semaphore, #tpu.memory_space<semaphore_mem>>) src(%dma_wait3A_10 : memref<10000xi32, #tpu.memory_space<hbm>>) dst(%arg6 : memref<10000xi32, #tpu.memory_space<vmem>>)
      tpu.yield
    }) : () -> ()
    %scan3A = arith.constant 0 : i32
    %scan3A_3 = arith.constant 0 : i32
    %scan3A_4 = arith.constant 625 : i32
    %scan3A_5 = arith.addi %scan3A_3, %scan3A_4 : i32
    %scan3A_6 = arith.constant 1 : i32
    %scan3A_7 = scf.for %scan3A_9 = %scan3A_3 to %scan3A_5 step %scan3A_6 iter_args(%scan3A_10 = %scan3A) -> (i32)  : i32 {
      %mul3A_11 = arith.constant 16 : i32
      %mul3A_12 = arith.muli %scan3A_9, %mul3A_11 : i32
      %get3A = arith.index_cast %mul3A_12 : i32 to index
      %get3A_13 = tpu.vector_load %arg6[%get3A] {strides = array<i32>} : memref<10000xi32, #tpu.memory_space<vmem>>, vector<16xi32>,
      %gather3A = tpu.vector_load_idx %arg5[%get3A_13] : memref<10000xi32, #tpu.memory_space<vmem>>[vector<16xi32>], vector<16xi32>,
      %mul3A_14 = arith.constant 16 : i32
      %mul3A_15 = arith.muli %scan3A_9, %mul3A_14 : i32
      %swap3A = arith.index_cast %mul3A_15 : i32 to index
      %swap3A_16 = tpu.vector_load %arg7[%swap3A] {strides = array<i32>} : memref<10000xi32, #tpu.memory_space<vmem>>, vector<16xi32>,
      tpu.vector_store %arg7[%swap3A], %gather3A {strides = array<i32>} : memref<10000xi32, #tpu.memory_space<vmem>>, vector<16xi32>,
      %scan3A_17 = arith.constant 0 : i32
      scf.yield %scan3A_17 : i32
    }
    %scan3A_8 = arith.constant 625 : i32
    "tpu.region"() ({
      %run_scoped3A = tpu.sem_alloc : memref<!tpu.dma_semaphore, #tpu.memory_space<semaphore_mem>>
      %dma_start3A = tpu.memref_slice %arg4[%mul3A_2] : memref<320000xi32, #tpu.memory_space<hbm>> -> memref<10000xi32, #tpu.memory_space<hbm>>
      %dma_start3A_9 = tpu.memref_slice %arg4[%mul3A_2] : memref<320000xi32, #tpu.memory_space<hbm>> -> memref<10000xi32, #tpu.memory_space<hbm>>
      tpu.enqueue_dma source(%arg7 : memref<10000xi32, #tpu.memory_space<vmem>>) target(%dma_start3A_9 : memref<10000xi32, #tpu.memory_space<hbm>>) target_semaphore(%run_scoped3A : memref<!tpu.dma_semaphore, #tpu.memory_space<semaphore_mem>>)
      %dma_wait3A = tpu.memref_slice %arg4[%mul3A_2] : memref<320000xi32, #tpu.memory_space<hbm>> -> memref<10000xi32, #tpu.memory_space<hbm>>
      %dma_wait3A_10 = tpu.memref_slice %arg4[%mul3A_2] : memref<320000xi32, #tpu.memory_space<hbm>> -> memref<10000xi32, #tpu.memory_space<hbm>>
      tpu.wait_dma2 semaphore(%run_scoped3A : memref<!tpu.dma_semaphore, #tpu.memory_space<semaphore_mem>>) src(%arg7 : memref<10000xi32, #tpu.memory_space<vmem>>) dst(%dma_wait3A_10 : memref<10000xi32, #tpu.memory_space<hbm>>)
      tpu.yield
    }) : () -> ()
    return
  }
}

#map = affine_map<(d0, d1) -> (0)>
#map1 = affine_map<(d0, d1) -> (0, 0)>
module attributes {stable_mosaic.version = 14 : i64} {
  func.func @_seg_body(%arg0: i32, %arg1: i32, %arg2: memref<320000xi32, #tpu.memory_space<hbm>>, %arg3: memref<192000x128xf32, #tpu.memory_space<hbm>>, %arg4: memref<10000x128xf32, #tpu.memory_space<hbm>>, %arg5: memref<10000x64xf32, #tpu.memory_space<vmem_shared>>, %arg6: memref<1000xi32, #tpu.memory_space<vmem>>, %arg7: memref<1000x64xf32, #tpu.memory_space<vmem>>) attributes {dimension_semantics = [#tpu.dimension_semantics<core_parallel>, #tpu.dimension_semantics<subcore_parallel>], iteration_bounds = array<i64: 2, 16>, scalar_prefetch = 0 : i64, scratch_operands = 3 : i64, tpu.core_type = #tpu.core_type<sc_vector_subcore>, window_params = [{transform_indices = #map}, {transform_indices = #map1}, {transform_indices = #map1}]} {
    %mul3A = arith.constant 12000 : i32
    %mul3A_0 = arith.muli %arg1, %mul3A : i32
    %mul3A_1 = arith.constant 64 : i32
    %mul3A_2 = arith.muli %arg0, %mul3A_1 : i32
    %scan3A = arith.constant 0 : i32
    %scan3A_3 = arith.constant 0 : i32
    %scan3A_4 = arith.constant 1000 : i32
    %scan3A_5 = arith.addi %scan3A_3, %scan3A_4 : i32
    %scan3A_6 = arith.constant 1 : i32
    %scan3A_7 = scf.for %scan3A_37 = %scan3A_3 to %scan3A_5 step %scan3A_6 iter_args(%scan3A_38 = %scan3A) -> (i32)  : i32 {
      %broadcast_in_dim3A = arith.constant 0.000000e+00 : f32
      %broadcast_in_dim3A_39 = vector.broadcast %broadcast_in_dim3A : f32 to vector<16xf32>
      %swap3A = arith.index_cast %scan3A_37 : i32 to index
      %swap3A_40 = arith.constant 0 : index
      %swap3A_41 = tpu.vector_load %arg7[%swap3A, %swap3A_40] {strides = array<i32>} : memref<1000x64xf32, #tpu.memory_space<vmem>>, vector<1x16xf32>,
      %swap3A_42 = vector.shape_cast %swap3A_41 : vector<1x16xf32> to vector<16xf32>
      %swap3A_43 = vector.shape_cast %broadcast_in_dim3A_39 : vector<16xf32> to vector<1x16xf32>
      tpu.vector_store %arg7[%swap3A, %swap3A_40], %swap3A_43 {strides = array<i32>} : memref<1000x64xf32, #tpu.memory_space<vmem>>, vector<1x16xf32>,
      %broadcast_in_dim3A_44 = arith.constant 0.000000e+00 : f32
      %broadcast_in_dim3A_45 = vector.broadcast %broadcast_in_dim3A_44 : f32 to vector<16xf32>
      %swap3A_46 = arith.index_cast %scan3A_37 : i32 to index
      %swap3A_47 = arith.constant 16 : index
      %swap3A_48 = tpu.vector_load %arg7[%swap3A_46, %swap3A_47] {strides = array<i32>} : memref<1000x64xf32, #tpu.memory_space<vmem>>, vector<1x16xf32>,
      %swap3A_49 = vector.shape_cast %swap3A_48 : vector<1x16xf32> to vector<16xf32>
      %swap3A_50 = vector.shape_cast %broadcast_in_dim3A_45 : vector<16xf32> to vector<1x16xf32>
      tpu.vector_store %arg7[%swap3A_46, %swap3A_47], %swap3A_50 {strides = array<i32>} : memref<1000x64xf32, #tpu.memory_space<vmem>>, vector<1x16xf32>,
      %broadcast_in_dim3A_51 = arith.constant 0.000000e+00 : f32
      %broadcast_in_dim3A_52 = vector.broadcast %broadcast_in_dim3A_51 : f32 to vector<16xf32>
      %swap3A_53 = arith.index_cast %scan3A_37 : i32 to index
      %swap3A_54 = arith.constant 32 : index
      %swap3A_55 = tpu.vector_load %arg7[%swap3A_53, %swap3A_54] {strides = array<i32>} : memref<1000x64xf32, #tpu.memory_space<vmem>>, vector<1x16xf32>,
      %swap3A_56 = vector.shape_cast %swap3A_55 : vector<1x16xf32> to vector<16xf32>
      %swap3A_57 = vector.shape_cast %broadcast_in_dim3A_52 : vector<16xf32> to vector<1x16xf32>
      tpu.vector_store %arg7[%swap3A_53, %swap3A_54], %swap3A_57 {strides = array<i32>} : memref<1000x64xf32, #tpu.memory_space<vmem>>, vector<1x16xf32>,
      %broadcast_in_dim3A_58 = arith.constant 0.000000e+00 : f32
      %broadcast_in_dim3A_59 = vector.broadcast %broadcast_in_dim3A_58 : f32 to vector<16xf32>
      %swap3A_60 = arith.index_cast %scan3A_37 : i32 to index
      %swap3A_61 = arith.constant 48 : index
      %swap3A_62 = tpu.vector_load %arg7[%swap3A_60, %swap3A_61] {strides = array<i32>} : memref<1000x64xf32, #tpu.memory_space<vmem>>, vector<1x16xf32>,
      %swap3A_63 = vector.shape_cast %swap3A_62 : vector<1x16xf32> to vector<16xf32>
      %swap3A_64 = vector.shape_cast %broadcast_in_dim3A_59 : vector<16xf32> to vector<1x16xf32>
      tpu.vector_store %arg7[%swap3A_60, %swap3A_61], %swap3A_64 {strides = array<i32>} : memref<1000x64xf32, #tpu.memory_space<vmem>>, vector<1x16xf32>,
      %scan3A_65 = arith.constant 0 : i32
      scf.yield %scan3A_65 : i32
    }
    %scan3A_8 = arith.constant 1000 : i32
    %scan3A_9 = arith.constant 0 : i32
    %scan3A_10 = arith.constant 0 : i32
    %mul3A_11 = arith.constant 16 : i32
    %mul3A_12 = arith.muli %scan3A_10, %mul3A_11 : i32
    %add3A = arith.addi %arg1, %mul3A_12 : i32
    %lt3A = arith.constant 10 : i32
    %lt3A_13 = arith.cmpi slt, %add3A, %lt3A : i32
    %convert_element_type3A = arith.extui %lt3A_13 : i1 to i32
    %cond3A = arith.constant 0 : i32
    %cond3A_14 = arith.cmpi ne, %convert_element_type3A, %cond3A : i32
    scf.if %cond3A_14 {
      %mul3A_37 = arith.constant 1000 : i32
      %mul3A_38 = arith.muli %add3A, %mul3A_37 : i32
      "tpu.region"() ({
        %run_scoped3A = tpu.sem_alloc : memref<!tpu.dma_semaphore, #tpu.memory_space<semaphore_mem>>
        %dma_start3A = arith.constant 0 : i32
        %dma_start3A_39 = tpu.memref_slice %arg5[%mul3A_38, %dma_start3A] : memref<10000x64xf32, #tpu.memory_space<vmem_shared>> -> memref<1000x64xf32, #tpu.memory_space<vmem_shared>>
        %dma_start3A_40 = arith.constant 0 : i32
        %dma_start3A_41 = tpu.memref_slice %arg5[%mul3A_38, %dma_start3A_40] : memref<10000x64xf32, #tpu.memory_space<vmem_shared>> -> memref<1000x64xf32, #tpu.memory_space<vmem_shared>>
        tpu.enqueue_dma source(%arg7 : memref<1000x64xf32, #tpu.memory_space<vmem>>) target(%dma_start3A_41 : memref<1000x64xf32, #tpu.memory_space<vmem_shared>>) target_semaphore(%run_scoped3A : memref<!tpu.dma_semaphore, #tpu.memory_space<semaphore_mem>>)
        %dma_wait3A = arith.constant 0 : i32
        %dma_wait3A_42 = tpu.memref_slice %arg5[%mul3A_38, %dma_wait3A] : memref<10000x64xf32, #tpu.memory_space<vmem_shared>> -> memref<1000x64xf32, #tpu.memory_space<vmem_shared>>
        %dma_wait3A_43 = arith.constant 0 : i32
        %dma_wait3A_44 = tpu.memref_slice %arg5[%mul3A_38, %dma_wait3A_43] : memref<10000x64xf32, #tpu.memory_space<vmem_shared>> -> memref<1000x64xf32, #tpu.memory_space<vmem_shared>>
        tpu.wait_dma2 semaphore(%run_scoped3A : memref<!tpu.dma_semaphore, #tpu.memory_space<semaphore_mem>>) src(%arg7 : memref<1000x64xf32, #tpu.memory_space<vmem>>) dst(%dma_wait3A_44 : memref<1000x64xf32, #tpu.memory_space<vmem_shared>>)
        tpu.yield
      }) : () -> ()
    } else {
    }
    %scan3A_15 = arith.constant 0 : i32
    %scan3A_16 = arith.constant 1 : i32
    %barrier3A = arith.constant 0 : index
    tpu.barrier barrier_id(%barrier3A)
    %scan3A_17 = arith.constant 0 : i32
    %scan3A_18 = arith.constant 0 : i32
    %scan3A_19 = arith.constant 12 : i32
    %scan3A_20 = arith.addi %scan3A_18, %scan3A_19 : i32
    %scan3A_21 = arith.constant 1 : i32
    %scan3A_22 = scf.for %scan3A_37 = %scan3A_18 to %scan3A_20 step %scan3A_21 iter_args(%scan3A_38 = %scan3A_17) -> (i32)  : i32 {
      %mul3A_39 = arith.constant 1000 : i32
      %mul3A_40 = arith.muli %scan3A_37, %mul3A_39 : i32
      %add3A_41 = arith.addi %mul3A_0, %mul3A_40 : i32
      %add3A_42 = arith.constant 0 : i32
      %add3A_43 = arith.addi %add3A_42, %add3A_41 : i32
      "tpu.region"() ({
        %run_scoped3A = tpu.sem_alloc : memref<!tpu.dma_semaphore, #tpu.memory_space<semaphore_mem>>
        %dma_start3A = tpu.memref_slice %arg2[%add3A_43] : memref<320000xi32, #tpu.memory_space<hbm>> -> memref<1000xi32, #tpu.memory_space<hbm>>
        %dma_start3A_45 = tpu.memref_slice %arg2[%add3A_43] : memref<320000xi32, #tpu.memory_space<hbm>> -> memref<1000xi32, #tpu.memory_space<hbm>>
        tpu.enqueue_dma source(%dma_start3A_45 : memref<1000xi32, #tpu.memory_space<hbm>>) target(%arg6 : memref<1000xi32, #tpu.memory_space<vmem>>) target_semaphore(%run_scoped3A : memref<!tpu.dma_semaphore, #tpu.memory_space<semaphore_mem>>)
        %dma_wait3A = tpu.memref_slice %arg2[%add3A_43] : memref<320000xi32, #tpu.memory_space<hbm>> -> memref<1000xi32, #tpu.memory_space<hbm>>
        %dma_wait3A_46 = tpu.memref_slice %arg2[%add3A_43] : memref<320000xi32, #tpu.memory_space<hbm>> -> memref<1000xi32, #tpu.memory_space<hbm>>
        tpu.wait_dma2 semaphore(%run_scoped3A : memref<!tpu.dma_semaphore, #tpu.memory_space<semaphore_mem>>) src(%dma_wait3A_46 : memref<1000xi32, #tpu.memory_space<hbm>>) dst(%arg6 : memref<1000xi32, #tpu.memory_space<vmem>>)
        tpu.yield
      }) : () -> ()
      "tpu.region"() ({
        %run_scoped3A = tpu.sem_alloc : memref<!tpu.dma_semaphore, #tpu.memory_space<semaphore_mem>>
        %dma_start3A = tpu.memref_slice %arg3[%add3A_41, %mul3A_2] : memref<192000x128xf32, #tpu.memory_space<hbm>> -> memref<1000x64xf32, #tpu.memory_space<hbm>>
        %dma_start3A_45 = tpu.memref_slice %arg3[%add3A_41, %mul3A_2] : memref<192000x128xf32, #tpu.memory_space<hbm>> -> memref<1000x64xf32, #tpu.memory_space<hbm>>
        tpu.enqueue_dma source(%dma_start3A_45 : memref<1000x64xf32, #tpu.memory_space<hbm>>) target(%arg7 : memref<1000x64xf32, #tpu.memory_space<vmem>>) target_semaphore(%run_scoped3A : memref<!tpu.dma_semaphore, #tpu.memory_space<semaphore_mem>>)
        %dma_wait3A = tpu.memref_slice %arg3[%add3A_41, %mul3A_2] : memref<192000x128xf32, #tpu.memory_space<hbm>> -> memref<1000x64xf32, #tpu.memory_space<hbm>>
        %dma_wait3A_46 = tpu.memref_slice %arg3[%add3A_41, %mul3A_2] : memref<192000x128xf32, #tpu.memory_space<hbm>> -> memref<1000x64xf32, #tpu.memory_space<hbm>>
        tpu.wait_dma2 semaphore(%run_scoped3A : memref<!tpu.dma_semaphore, #tpu.memory_space<semaphore_mem>>) src(%dma_wait3A_46 : memref<1000x64xf32, #tpu.memory_space<hbm>>) dst(%arg7 : memref<1000x64xf32, #tpu.memory_space<vmem>>)
        tpu.yield
      }) : () -> ()
      "tpu.region"() ({
        %run_scoped3A = tpu.sem_alloc : memref<!tpu.dma_semaphore, #tpu.memory_space<semaphore_mem>>
        %dma_start3A = arith.constant 0 : i32
        %dma_start3A_45 = arith.constant 0 : i32
        %dma_start3A_46 = tpu.memref_slice %arg5[%dma_start3A, %dma_start3A_45] : memref<10000x64xf32, #tpu.memory_space<vmem_shared>> -> memref<10000x64xf32, #tpu.memory_space<vmem_shared>>
        tpu.enqueue_indirect_dma source(%arg7 : memref<1000x64xf32, #tpu.memory_space<vmem>>) target(%dma_start3A_46 : memref<10000x64xf32, #tpu.memory_space<vmem_shared>>) offsets(%arg6 : memref<1000xi32, #tpu.memory_space<vmem>>) semaphore(%run_scoped3A : memref<!tpu.dma_semaphore, #tpu.memory_space<semaphore_mem>>) {add = true}
        %dma_wait3A = arith.constant 0 : i32
        %dma_wait3A_47 = arith.constant 0 : i32
        %dma_wait3A_48 = tpu.memref_slice %arg5[%dma_wait3A, %dma_wait3A_47] : memref<10000x64xf32, #tpu.memory_space<vmem_shared>> -> memref<10000x64xf32, #tpu.memory_space<vmem_shared>>
        tpu.wait_indirect_dma semaphore(%run_scoped3A : memref<!tpu.dma_semaphore, #tpu.memory_space<semaphore_mem>>) src(%arg7 : memref<1000x64xf32, #tpu.memory_space<vmem>>) dst(%dma_wait3A_48 : memref<10000x64xf32, #tpu.memory_space<vmem_shared>>)
        tpu.yield
      }) : () -> ()
      %scan3A_44 = arith.constant 0 : i32
      scf.yield %scan3A_44 : i32
    }
    %scan3A_23 = arith.constant 12 : i32
    %barrier3A_24 = arith.constant 0 : index
    tpu.barrier barrier_id(%barrier3A_24)
    %scan3A_25 = arith.constant 0 : i32
    %scan3A_26 = arith.constant 0 : i32
    %mul3A_27 = arith.constant 16 : i32
    %mul3A_28 = arith.muli %scan3A_26, %mul3A_27 : i32
    %add3A_29 = arith.addi %arg1, %mul3A_28 : i32
    %lt3A_30 = arith.constant 10 : i32
    %lt3A_31 = arith.cmpi slt, %add3A_29, %lt3A_30 : i32
    %convert_element_type3A_32 = arith.extui %lt3A_31 : i1 to i32
    %cond3A_33 = arith.constant 0 : i32
    %cond3A_34 = arith.cmpi ne, %convert_element_type3A_32, %cond3A_33 : i32
    scf.if %cond3A_34 {
      %mul3A_37 = arith.constant 1000 : i32
      %mul3A_38 = arith.muli %add3A_29, %mul3A_37 : i32
      "tpu.region"() ({
        %run_scoped3A = tpu.sem_alloc : memref<!tpu.dma_semaphore, #tpu.memory_space<semaphore_mem>>
        %dma_start3A = arith.constant 0 : i32
        %dma_start3A_41 = tpu.memref_slice %arg5[%mul3A_38, %dma_start3A] : memref<10000x64xf32, #tpu.memory_space<vmem_shared>> -> memref<1000x64xf32, #tpu.memory_space<vmem_shared>>
        %dma_start3A_42 = arith.constant 0 : i32
        %dma_start3A_43 = tpu.memref_slice %arg5[%mul3A_38, %dma_start3A_42] : memref<10000x64xf32, #tpu.memory_space<vmem_shared>> -> memref<1000x64xf32, #tpu.memory_space<vmem_shared>>
        tpu.enqueue_dma source(%dma_start3A_43 : memref<1000x64xf32, #tpu.memory_space<vmem_shared>>) target(%arg7 : memref<1000x64xf32, #tpu.memory_space<vmem>>) target_semaphore(%run_scoped3A : memref<!tpu.dma_semaphore, #tpu.memory_space<semaphore_mem>>)
        %dma_wait3A = arith.constant 0 : i32
        %dma_wait3A_44 = tpu.memref_slice %arg5[%mul3A_38, %dma_wait3A] : memref<10000x64xf32, #tpu.memory_space<vmem_shared>> -> memref<1000x64xf32, #tpu.memory_space<vmem_shared>>
        %dma_wait3A_45 = arith.constant 0 : i32
        %dma_wait3A_46 = tpu.memref_slice %arg5[%mul3A_38, %dma_wait3A_45] : memref<10000x64xf32, #tpu.memory_space<vmem_shared>> -> memref<1000x64xf32, #tpu.memory_space<vmem_shared>>
        tpu.wait_dma2 semaphore(%run_scoped3A : memref<!tpu.dma_semaphore, #tpu.memory_space<semaphore_mem>>) src(%dma_wait3A_46 : memref<1000x64xf32, #tpu.memory_space<vmem_shared>>) dst(%arg7 : memref<1000x64xf32, #tpu.memory_space<vmem>>)
        tpu.yield
      }) : () -> ()
      %mul3A_39 = arith.constant 1000 : i32
      %mul3A_40 = arith.muli %add3A_29, %mul3A_39 : i32
      "tpu.region"() ({
        %run_scoped3A = tpu.sem_alloc : memref<!tpu.dma_semaphore, #tpu.memory_space<semaphore_mem>>
        %dma_start3A = tpu.memref_slice %arg4[%mul3A_40, %mul3A_2] : memref<10000x128xf32, #tpu.memory_space<hbm>> -> memref<1000x64xf32, #tpu.memory_space<hbm>>
        %dma_start3A_41 = tpu.memref_slice %arg4[%mul3A_40, %mul3A_2] : memref<10000x128xf32, #tpu.memory_space<hbm>> -> memref<1000x64xf32, #tpu.memory_space<hbm>>
        tpu.enqueue_dma source(%arg7 : memref<1000x64xf32, #tpu.memory_space<vmem>>) target(%dma_start3A_41 : memref<1000x64xf32, #tpu.memory_space<hbm>>) target_semaphore(%run_scoped3A : memref<!tpu.dma_semaphore, #tpu.memory_space<semaphore_mem>>)
        %dma_wait3A = tpu.memref_slice %arg4[%mul3A_40, %mul3A_2] : memref<10000x128xf32, #tpu.memory_space<hbm>> -> memref<1000x64xf32, #tpu.memory_space<hbm>>
        %dma_wait3A_42 = tpu.memref_slice %arg4[%mul3A_40, %mul3A_2] : memref<10000x128xf32, #tpu.memory_space<hbm>> -> memref<1000x64xf32, #tpu.memory_space<hbm>>
        tpu.wait_dma2 semaphore(%run_scoped3A : memref<!tpu.dma_semaphore, #tpu.memory_space<semaphore_mem>>) src(%arg7 : memref<1000x64xf32, #tpu.memory_space<vmem>>) dst(%dma_wait3A_42 : memref<1000x64xf32, #tpu.memory_space<hbm>>)
        tpu.yield
      }) : () -> ()
    } else {
    }
    %scan3A_35 = arith.constant 0 : i32
    %scan3A_36 = arith.constant 1 : i32
    return
  }
}

#map = affine_map<(d0, d1) -> (0)>
#map1 = affine_map<(d0, d1) -> (0, 0)>
module attributes {stable_mosaic.version = 14 : i64} {
  func.func @_seg_body(%arg0: i32, %arg1: i32, %arg2: memref<320000xi32, #tpu.memory_space<hbm>>, %arg3: memref<128000x128xf32, #tpu.memory_space<hbm>>, %arg4: memref<10000x128xf32, #tpu.memory_space<hbm>>, %arg5: memref<10000x64xf32, #tpu.memory_space<vmem_shared>>, %arg6: memref<1000xi32, #tpu.memory_space<vmem>>, %arg7: memref<1000x64xf32, #tpu.memory_space<vmem>>) attributes {dimension_semantics = [#tpu.dimension_semantics<core_parallel>, #tpu.dimension_semantics<subcore_parallel>], iteration_bounds = array<i64: 2, 16>, scalar_prefetch = 0 : i64, scratch_operands = 3 : i64, tpu.core_type = #tpu.core_type<sc_vector_subcore>, window_params = [{transform_indices = #map}, {transform_indices = #map1}, {transform_indices = #map1}]} {
    %mul3A = arith.constant 8000 : i32
    %mul3A_0 = arith.muli %arg1, %mul3A : i32
    %mul3A_1 = arith.constant 64 : i32
    %mul3A_2 = arith.muli %arg0, %mul3A_1 : i32
    %scan3A = arith.constant 0 : i32
    %scan3A_3 = arith.constant 0 : i32
    %scan3A_4 = arith.constant 1000 : i32
    %scan3A_5 = arith.addi %scan3A_3, %scan3A_4 : i32
    %scan3A_6 = arith.constant 1 : i32
    %scan3A_7 = scf.for %scan3A_37 = %scan3A_3 to %scan3A_5 step %scan3A_6 iter_args(%scan3A_38 = %scan3A) -> (i32)  : i32 {
      %broadcast_in_dim3A = arith.constant 0.000000e+00 : f32
      %broadcast_in_dim3A_39 = vector.broadcast %broadcast_in_dim3A : f32 to vector<16xf32>
      %swap3A = arith.index_cast %scan3A_37 : i32 to index
      %swap3A_40 = arith.constant 0 : index
      %swap3A_41 = tpu.vector_load %arg7[%swap3A, %swap3A_40] {strides = array<i32>} : memref<1000x64xf32, #tpu.memory_space<vmem>>, vector<1x16xf32>,
      %swap3A_42 = vector.shape_cast %swap3A_41 : vector<1x16xf32> to vector<16xf32>
      %swap3A_43 = vector.shape_cast %broadcast_in_dim3A_39 : vector<16xf32> to vector<1x16xf32>
      tpu.vector_store %arg7[%swap3A, %swap3A_40], %swap3A_43 {strides = array<i32>} : memref<1000x64xf32, #tpu.memory_space<vmem>>, vector<1x16xf32>,
      %broadcast_in_dim3A_44 = arith.constant 0.000000e+00 : f32
      %broadcast_in_dim3A_45 = vector.broadcast %broadcast_in_dim3A_44 : f32 to vector<16xf32>
      %swap3A_46 = arith.index_cast %scan3A_37 : i32 to index
      %swap3A_47 = arith.constant 16 : index
      %swap3A_48 = tpu.vector_load %arg7[%swap3A_46, %swap3A_47] {strides = array<i32>} : memref<1000x64xf32, #tpu.memory_space<vmem>>, vector<1x16xf32>,
      %swap3A_49 = vector.shape_cast %swap3A_48 : vector<1x16xf32> to vector<16xf32>
      %swap3A_50 = vector.shape_cast %broadcast_in_dim3A_45 : vector<16xf32> to vector<1x16xf32>
      tpu.vector_store %arg7[%swap3A_46, %swap3A_47], %swap3A_50 {strides = array<i32>} : memref<1000x64xf32, #tpu.memory_space<vmem>>, vector<1x16xf32>,
      %broadcast_in_dim3A_51 = arith.constant 0.000000e+00 : f32
      %broadcast_in_dim3A_52 = vector.broadcast %broadcast_in_dim3A_51 : f32 to vector<16xf32>
      %swap3A_53 = arith.index_cast %scan3A_37 : i32 to index
      %swap3A_54 = arith.constant 32 : index
      %swap3A_55 = tpu.vector_load %arg7[%swap3A_53, %swap3A_54] {strides = array<i32>} : memref<1000x64xf32, #tpu.memory_space<vmem>>, vector<1x16xf32>,
      %swap3A_56 = vector.shape_cast %swap3A_55 : vector<1x16xf32> to vector<16xf32>
      %swap3A_57 = vector.shape_cast %broadcast_in_dim3A_52 : vector<16xf32> to vector<1x16xf32>
      tpu.vector_store %arg7[%swap3A_53, %swap3A_54], %swap3A_57 {strides = array<i32>} : memref<1000x64xf32, #tpu.memory_space<vmem>>, vector<1x16xf32>,
      %broadcast_in_dim3A_58 = arith.constant 0.000000e+00 : f32
      %broadcast_in_dim3A_59 = vector.broadcast %broadcast_in_dim3A_58 : f32 to vector<16xf32>
      %swap3A_60 = arith.index_cast %scan3A_37 : i32 to index
      %swap3A_61 = arith.constant 48 : index
      %swap3A_62 = tpu.vector_load %arg7[%swap3A_60, %swap3A_61] {strides = array<i32>} : memref<1000x64xf32, #tpu.memory_space<vmem>>, vector<1x16xf32>,
      %swap3A_63 = vector.shape_cast %swap3A_62 : vector<1x16xf32> to vector<16xf32>
      %swap3A_64 = vector.shape_cast %broadcast_in_dim3A_59 : vector<16xf32> to vector<1x16xf32>
      tpu.vector_store %arg7[%swap3A_60, %swap3A_61], %swap3A_64 {strides = array<i32>} : memref<1000x64xf32, #tpu.memory_space<vmem>>, vector<1x16xf32>,
      %scan3A_65 = arith.constant 0 : i32
      scf.yield %scan3A_65 : i32
    }
    %scan3A_8 = arith.constant 1000 : i32
    %scan3A_9 = arith.constant 0 : i32
    %scan3A_10 = arith.constant 0 : i32
    %mul3A_11 = arith.constant 16 : i32
    %mul3A_12 = arith.muli %scan3A_10, %mul3A_11 : i32
    %add3A = arith.addi %arg1, %mul3A_12 : i32
    %lt3A = arith.constant 10 : i32
    %lt3A_13 = arith.cmpi slt, %add3A, %lt3A : i32
    %convert_element_type3A = arith.extui %lt3A_13 : i1 to i32
    %cond3A = arith.constant 0 : i32
    %cond3A_14 = arith.cmpi ne, %convert_element_type3A, %cond3A : i32
    scf.if %cond3A_14 {
      %mul3A_37 = arith.constant 1000 : i32
      %mul3A_38 = arith.muli %add3A, %mul3A_37 : i32
      "tpu.region"() ({
        %run_scoped3A = tpu.sem_alloc : memref<!tpu.dma_semaphore, #tpu.memory_space<semaphore_mem>>
        %dma_start3A = arith.constant 0 : i32
        %dma_start3A_39 = tpu.memref_slice %arg5[%mul3A_38, %dma_start3A] : memref<10000x64xf32, #tpu.memory_space<vmem_shared>> -> memref<1000x64xf32, #tpu.memory_space<vmem_shared>>
        %dma_start3A_40 = arith.constant 0 : i32
        %dma_start3A_41 = tpu.memref_slice %arg5[%mul3A_38, %dma_start3A_40] : memref<10000x64xf32, #tpu.memory_space<vmem_shared>> -> memref<1000x64xf32, #tpu.memory_space<vmem_shared>>
        tpu.enqueue_dma source(%arg7 : memref<1000x64xf32, #tpu.memory_space<vmem>>) target(%dma_start3A_41 : memref<1000x64xf32, #tpu.memory_space<vmem_shared>>) target_semaphore(%run_scoped3A : memref<!tpu.dma_semaphore, #tpu.memory_space<semaphore_mem>>)
        %dma_wait3A = arith.constant 0 : i32
        %dma_wait3A_42 = tpu.memref_slice %arg5[%mul3A_38, %dma_wait3A] : memref<10000x64xf32, #tpu.memory_space<vmem_shared>> -> memref<1000x64xf32, #tpu.memory_space<vmem_shared>>
        %dma_wait3A_43 = arith.constant 0 : i32
        %dma_wait3A_44 = tpu.memref_slice %arg5[%mul3A_38, %dma_wait3A_43] : memref<10000x64xf32, #tpu.memory_space<vmem_shared>> -> memref<1000x64xf32, #tpu.memory_space<vmem_shared>>
        tpu.wait_dma2 semaphore(%run_scoped3A : memref<!tpu.dma_semaphore, #tpu.memory_space<semaphore_mem>>) src(%arg7 : memref<1000x64xf32, #tpu.memory_space<vmem>>) dst(%dma_wait3A_44 : memref<1000x64xf32, #tpu.memory_space<vmem_shared>>)
        tpu.yield
      }) : () -> ()
    } else {
    }
    %scan3A_15 = arith.constant 0 : i32
    %scan3A_16 = arith.constant 1 : i32
    %barrier3A = arith.constant 0 : index
    tpu.barrier barrier_id(%barrier3A)
    %scan3A_17 = arith.constant 0 : i32
    %scan3A_18 = arith.constant 0 : i32
    %scan3A_19 = arith.constant 8 : i32
    %scan3A_20 = arith.addi %scan3A_18, %scan3A_19 : i32
    %scan3A_21 = arith.constant 1 : i32
    %scan3A_22 = scf.for %scan3A_37 = %scan3A_18 to %scan3A_20 step %scan3A_21 iter_args(%scan3A_38 = %scan3A_17) -> (i32)  : i32 {
      %mul3A_39 = arith.constant 1000 : i32
      %mul3A_40 = arith.muli %scan3A_37, %mul3A_39 : i32
      %add3A_41 = arith.addi %mul3A_0, %mul3A_40 : i32
      %add3A_42 = arith.constant 192000 : i32
      %add3A_43 = arith.addi %add3A_42, %add3A_41 : i32
      "tpu.region"() ({
        %run_scoped3A = tpu.sem_alloc : memref<!tpu.dma_semaphore, #tpu.memory_space<semaphore_mem>>
        %dma_start3A = tpu.memref_slice %arg2[%add3A_43] : memref<320000xi32, #tpu.memory_space<hbm>> -> memref<1000xi32, #tpu.memory_space<hbm>>
        %dma_start3A_45 = tpu.memref_slice %arg2[%add3A_43] : memref<320000xi32, #tpu.memory_space<hbm>> -> memref<1000xi32, #tpu.memory_space<hbm>>
        tpu.enqueue_dma source(%dma_start3A_45 : memref<1000xi32, #tpu.memory_space<hbm>>) target(%arg6 : memref<1000xi32, #tpu.memory_space<vmem>>) target_semaphore(%run_scoped3A : memref<!tpu.dma_semaphore, #tpu.memory_space<semaphore_mem>>)
        %dma_wait3A = tpu.memref_slice %arg2[%add3A_43] : memref<320000xi32, #tpu.memory_space<hbm>> -> memref<1000xi32, #tpu.memory_space<hbm>>
        %dma_wait3A_46 = tpu.memref_slice %arg2[%add3A_43] : memref<320000xi32, #tpu.memory_space<hbm>> -> memref<1000xi32, #tpu.memory_space<hbm>>
        tpu.wait_dma2 semaphore(%run_scoped3A : memref<!tpu.dma_semaphore, #tpu.memory_space<semaphore_mem>>) src(%dma_wait3A_46 : memref<1000xi32, #tpu.memory_space<hbm>>) dst(%arg6 : memref<1000xi32, #tpu.memory_space<vmem>>)
        tpu.yield
      }) : () -> ()
      "tpu.region"() ({
        %run_scoped3A = tpu.sem_alloc : memref<!tpu.dma_semaphore, #tpu.memory_space<semaphore_mem>>
        %dma_start3A = tpu.memref_slice %arg3[%add3A_41, %mul3A_2] : memref<128000x128xf32, #tpu.memory_space<hbm>> -> memref<1000x64xf32, #tpu.memory_space<hbm>>
        %dma_start3A_45 = tpu.memref_slice %arg3[%add3A_41, %mul3A_2] : memref<128000x128xf32, #tpu.memory_space<hbm>> -> memref<1000x64xf32, #tpu.memory_space<hbm>>
        tpu.enqueue_dma source(%dma_start3A_45 : memref<1000x64xf32, #tpu.memory_space<hbm>>) target(%arg7 : memref<1000x64xf32, #tpu.memory_space<vmem>>) target_semaphore(%run_scoped3A : memref<!tpu.dma_semaphore, #tpu.memory_space<semaphore_mem>>)
        %dma_wait3A = tpu.memref_slice %arg3[%add3A_41, %mul3A_2] : memref<128000x128xf32, #tpu.memory_space<hbm>> -> memref<1000x64xf32, #tpu.memory_space<hbm>>
        %dma_wait3A_46 = tpu.memref_slice %arg3[%add3A_41, %mul3A_2] : memref<128000x128xf32, #tpu.memory_space<hbm>> -> memref<1000x64xf32, #tpu.memory_space<hbm>>
        tpu.wait_dma2 semaphore(%run_scoped3A : memref<!tpu.dma_semaphore, #tpu.memory_space<semaphore_mem>>) src(%dma_wait3A_46 : memref<1000x64xf32, #tpu.memory_space<hbm>>) dst(%arg7 : memref<1000x64xf32, #tpu.memory_space<vmem>>)
        tpu.yield
      }) : () -> ()
      "tpu.region"() ({
        %run_scoped3A = tpu.sem_alloc : memref<!tpu.dma_semaphore, #tpu.memory_space<semaphore_mem>>
        %dma_start3A = arith.constant 0 : i32
        %dma_start3A_45 = arith.constant 0 : i32
        %dma_start3A_46 = tpu.memref_slice %arg5[%dma_start3A, %dma_start3A_45] : memref<10000x64xf32, #tpu.memory_space<vmem_shared>> -> memref<10000x64xf32, #tpu.memory_space<vmem_shared>>
        tpu.enqueue_indirect_dma source(%arg7 : memref<1000x64xf32, #tpu.memory_space<vmem>>) target(%dma_start3A_46 : memref<10000x64xf32, #tpu.memory_space<vmem_shared>>) offsets(%arg6 : memref<1000xi32, #tpu.memory_space<vmem>>) semaphore(%run_scoped3A : memref<!tpu.dma_semaphore, #tpu.memory_space<semaphore_mem>>) {add = true}
        %dma_wait3A = arith.constant 0 : i32
        %dma_wait3A_47 = arith.constant 0 : i32
        %dma_wait3A_48 = tpu.memref_slice %arg5[%dma_wait3A, %dma_wait3A_47] : memref<10000x64xf32, #tpu.memory_space<vmem_shared>> -> memref<10000x64xf32, #tpu.memory_space<vmem_shared>>
        tpu.wait_indirect_dma semaphore(%run_scoped3A : memref<!tpu.dma_semaphore, #tpu.memory_space<semaphore_mem>>) src(%arg7 : memref<1000x64xf32, #tpu.memory_space<vmem>>) dst(%dma_wait3A_48 : memref<10000x64xf32, #tpu.memory_space<vmem_shared>>)
        tpu.yield
      }) : () -> ()
      %scan3A_44 = arith.constant 0 : i32
      scf.yield %scan3A_44 : i32
    }
    %scan3A_23 = arith.constant 8 : i32
    %barrier3A_24 = arith.constant 0 : index
    tpu.barrier barrier_id(%barrier3A_24)
    %scan3A_25 = arith.constant 0 : i32
    %scan3A_26 = arith.constant 0 : i32
    %mul3A_27 = arith.constant 16 : i32
    %mul3A_28 = arith.muli %scan3A_26, %mul3A_27 : i32
    %add3A_29 = arith.addi %arg1, %mul3A_28 : i32
    %lt3A_30 = arith.constant 10 : i32
    %lt3A_31 = arith.cmpi slt, %add3A_29, %lt3A_30 : i32
    %convert_element_type3A_32 = arith.extui %lt3A_31 : i1 to i32
    %cond3A_33 = arith.constant 0 : i32
    %cond3A_34 = arith.cmpi ne, %convert_element_type3A_32, %cond3A_33 : i32
    scf.if %cond3A_34 {
      %mul3A_37 = arith.constant 1000 : i32
      %mul3A_38 = arith.muli %add3A_29, %mul3A_37 : i32
      "tpu.region"() ({
        %run_scoped3A = tpu.sem_alloc : memref<!tpu.dma_semaphore, #tpu.memory_space<semaphore_mem>>
        %dma_start3A = arith.constant 0 : i32
        %dma_start3A_41 = tpu.memref_slice %arg5[%mul3A_38, %dma_start3A] : memref<10000x64xf32, #tpu.memory_space<vmem_shared>> -> memref<1000x64xf32, #tpu.memory_space<vmem_shared>>
        %dma_start3A_42 = arith.constant 0 : i32
        %dma_start3A_43 = tpu.memref_slice %arg5[%mul3A_38, %dma_start3A_42] : memref<10000x64xf32, #tpu.memory_space<vmem_shared>> -> memref<1000x64xf32, #tpu.memory_space<vmem_shared>>
        tpu.enqueue_dma source(%dma_start3A_43 : memref<1000x64xf32, #tpu.memory_space<vmem_shared>>) target(%arg7 : memref<1000x64xf32, #tpu.memory_space<vmem>>) target_semaphore(%run_scoped3A : memref<!tpu.dma_semaphore, #tpu.memory_space<semaphore_mem>>)
        %dma_wait3A = arith.constant 0 : i32
        %dma_wait3A_44 = tpu.memref_slice %arg5[%mul3A_38, %dma_wait3A] : memref<10000x64xf32, #tpu.memory_space<vmem_shared>> -> memref<1000x64xf32, #tpu.memory_space<vmem_shared>>
        %dma_wait3A_45 = arith.constant 0 : i32
        %dma_wait3A_46 = tpu.memref_slice %arg5[%mul3A_38, %dma_wait3A_45] : memref<10000x64xf32, #tpu.memory_space<vmem_shared>> -> memref<1000x64xf32, #tpu.memory_space<vmem_shared>>
        tpu.wait_dma2 semaphore(%run_scoped3A : memref<!tpu.dma_semaphore, #tpu.memory_space<semaphore_mem>>) src(%dma_wait3A_46 : memref<1000x64xf32, #tpu.memory_space<vmem_shared>>) dst(%arg7 : memref<1000x64xf32, #tpu.memory_space<vmem>>)
        tpu.yield
      }) : () -> ()
      %mul3A_39 = arith.constant 1000 : i32
      %mul3A_40 = arith.muli %add3A_29, %mul3A_39 : i32
      "tpu.region"() ({
        %run_scoped3A = tpu.sem_alloc : memref<!tpu.dma_semaphore, #tpu.memory_space<semaphore_mem>>
        %dma_start3A = tpu.memref_slice %arg4[%mul3A_40, %mul3A_2] : memref<10000x128xf32, #tpu.memory_space<hbm>> -> memref<1000x64xf32, #tpu.memory_space<hbm>>
        %dma_start3A_41 = tpu.memref_slice %arg4[%mul3A_40, %mul3A_2] : memref<10000x128xf32, #tpu.memory_space<hbm>> -> memref<1000x64xf32, #tpu.memory_space<hbm>>
        tpu.enqueue_dma source(%arg7 : memref<1000x64xf32, #tpu.memory_space<vmem>>) target(%dma_start3A_41 : memref<1000x64xf32, #tpu.memory_space<hbm>>) target_semaphore(%run_scoped3A : memref<!tpu.dma_semaphore, #tpu.memory_space<semaphore_mem>>)
        %dma_wait3A = tpu.memref_slice %arg4[%mul3A_40, %mul3A_2] : memref<10000x128xf32, #tpu.memory_space<hbm>> -> memref<1000x64xf32, #tpu.memory_space<hbm>>
        %dma_wait3A_42 = tpu.memref_slice %arg4[%mul3A_40, %mul3A_2] : memref<10000x128xf32, #tpu.memory_space<hbm>> -> memref<1000x64xf32, #tpu.memory_space<hbm>>
        tpu.wait_dma2 semaphore(%run_scoped3A : memref<!tpu.dma_semaphore, #tpu.memory_space<semaphore_mem>>) src(%arg7 : memref<1000x64xf32, #tpu.memory_space<vmem>>) dst(%dma_wait3A_42 : memref<1000x64xf32, #tpu.memory_space<hbm>>)
        tpu.yield
      }) : () -> ()
    } else {
    }
    %scan3A_35 = arith.constant 0 : i32
    %scan3A_36 = arith.constant 1 : i32
    return
  }
}

module attributes {stable_mosaic.version = 14 : i64} {
  func.func @_msg_body(%arg0: i32, %arg1: memref<1x1x1600xi32, #tpu.memory_space<vmem>>, %arg2: memref<1x1x1600xf32, #tpu.memory_space<vmem>>, %arg3: memref<1600x16xf32, #tpu.memory_space<vmem>>, %arg4: memref<100x128xf32, #tpu.memory_space<vmem>>, %arg5: memref<16x128xf32, #tpu.memory_space<vmem>>, %arg6: memref<1x128xf32, #tpu.memory_space<vmem>>, %arg7: memref<1600x128xf32, #tpu.memory_space<vmem>>) attributes {dimension_semantics = [#tpu.dimension_semantics<arbitrary>], iteration_bounds = array<i64: 120>, scalar_prefetch = 0 : i64, scratch_operands = 0 : i64, tpu.core_type = #tpu.core_type<tc>, window_params = [{transform_indices = @transform_0, window_bounds = array<i64: 1, 1, 1600>}, {transform_indices = @transform_1, window_bounds = array<i64: 1, 1, 1600>}, {transform_indices = @transform_2, window_bounds = array<i64: 1600, 16>}, {pipeline_mode = #tpu.pipeline_mode<synchronous>, transform_indices = @transform_3, window_bounds = array<i64: 100, 128>}, {pipeline_mode = #tpu.pipeline_mode<synchronous>, transform_indices = @transform_4, window_bounds = array<i64: 16, 128>}, {pipeline_mode = #tpu.pipeline_mode<synchronous>, transform_indices = @transform_5, window_bounds = array<i64: 1, 128>}, {transform_indices = @transform_6, window_bounds = array<i64: 1600, 128>}]} {
    %get3A = arith.constant 0 : index
    %get3A_0 = arith.constant 0 : index
    %get3A_1 = arith.constant 0 : index
    %get3A_2 = vector.load %arg1[%get3A, %get3A_0, %get3A_1] : memref<1x1x1600xi32, #tpu.memory_space<vmem>>, vector<1x1x1600xi32>
    %get3A_3 = vector.shape_cast %get3A_2 : vector<1x1x1600xi32> to vector<1600xi32>
    %get3A_4 = arith.constant 0 : index
    %get3A_5 = arith.constant 0 : index
    %get3A_6 = arith.constant 0 : index
    %get3A_7 = vector.load %arg2[%get3A_4, %get3A_5, %get3A_6] : memref<1x1x1600xf32, #tpu.memory_space<vmem>>, vector<1x1x1600xf32>
    %get3A_8 = vector.shape_cast %get3A_7 : vector<1x1x1600xf32> to vector<1600xf32>
    %get3A_9 = arith.constant 0 : index
    %get3A_10 = arith.constant 0 : index
    %get3A_11 = vector.load %arg3[%get3A_9, %get3A_10] : memref<1600x16xf32, #tpu.memory_space<vmem>>, vector<1600x16xf32>
    %mul3A = arith.constant 0.628318548 : f32
    %mul3A_12 = vector.broadcast %mul3A : f32 to vector<1600xf32>
    %mul3A_13 = arith.mulf %get3A_8, %mul3A_12 : vector<1600xf32>
    %cos3A = math.cos %mul3A_13 : vector<1600xf32>
    %add3A = arith.constant 1.000000e+00 : f32
    %add3A_14 = vector.broadcast %add3A : f32 to vector<1600xf32>
    %add3A_15 = arith.addf %cos3A, %add3A_14 : vector<1600xf32>
    %mul3A_16 = arith.constant 5.000000e-01 : f32
    %mul3A_17 = vector.broadcast %mul3A_16 : f32 to vector<1600xf32>
    %mul3A_18 = arith.mulf %mul3A_17, %add3A_15 : vector<1600xf32>
    %lt3A = arith.constant 5.000000e+00 : f32
    %lt3A_19 = vector.broadcast %lt3A : f32 to vector<1600xf32>
    %lt3A_20 = arith.cmpf olt, %get3A_8, %lt3A_19 : vector<1600xf32>
    %jit3A = arith.constant 0.000000e+00 : f32
    %broadcast_in_dim3A = vector.broadcast %jit3A : f32 to vector<1600xf32>
    %select_n3A = arith.select %lt3A_20, %mul3A_18, %broadcast_in_dim3A : vector<1600xi1>, vector<1600xf32>
    %iota3A = tpu.iota {dimensions = array<i32: 1>} : vector<1600x100xi32>
    %broadcast_in_dim3A_21 = vector.shape_cast %get3A_3 : vector<1600xi32> to vector<1600x1xi32>
    %eq3A = vector.broadcast %broadcast_in_dim3A_21 : vector<1600x1xi32> to vector<1600x100xi32>
    %eq3A_22 = arith.cmpi eq, %iota3A, %eq3A : vector<1600x100xi32>
    %convert_element_type3A = arith.extui %eq3A_22 : vector<1600x100xi1> to vector<1600x100xi32>
    %convert_element_type3A_23 = arith.sitofp %convert_element_type3A : vector<1600x100xi32> to vector<1600x100xf32>
    %get3A_24 = arith.constant 0 : index
    %get3A_25 = arith.constant 0 : index
    %get3A_26 = vector.load %arg4[%get3A_24, %get3A_25] : memref<100x128xf32, #tpu.memory_space<vmem>>, vector<100x128xf32>
    %dot_general3A = arith.constant dense<0.000000e+00> : vector<1600x128xf32>
    %dot_general3A_27 = tpu.matmul %convert_element_type3A_23, %get3A_26, %dot_general3A {dimension_numbers = #tpu.dot_dimension_numbers<[1], [0], [0], [1], [0, 0, 1, 1], [], []>, transpose_lhs_hint = false} : vector<1600x100xf32>, vector<100x128xf32>, vector<1600x128xf32> -> vector<1600x128xf32>
    %get3A_28 = arith.constant 0 : index
    %get3A_29 = arith.constant 0 : index
    %get3A_30 = vector.load %arg5[%get3A_28, %get3A_29] : memref<16x128xf32, #tpu.memory_space<vmem>>, vector<16x128xf32>
    %dot_general3A_31 = arith.constant dense<0.000000e+00> : vector<1600x128xf32>
    %dot_general3A_32 = tpu.matmul %get3A_11, %get3A_30, %dot_general3A_31 {dimension_numbers = #tpu.dot_dimension_numbers<[1], [0], [0], [1], [0, 0, 1, 1], [], []>, transpose_lhs_hint = false} : vector<1600x16xf32>, vector<16x128xf32>, vector<1600x128xf32> -> vector<1600x128xf32>
    %get3A_33 = arith.constant 0 : index
    %get3A_34 = arith.constant 0 : index
    %get3A_35 = vector.load %arg6[%get3A_33, %get3A_34] : memref<1x128xf32, #tpu.memory_space<vmem>>, vector<1x128xf32>
    %add3A_36 = vector.broadcast %get3A_35 : vector<1x128xf32> to vector<1600x128xf32>
    %add3A_37 = arith.addf %dot_general3A_32, %add3A_36 : vector<1600x128xf32>
    %mul3A_38 = arith.mulf %dot_general3A_27, %add3A_37 : vector<1600x128xf32>
    %broadcast_in_dim3A_39 = vector.shape_cast %select_n3A : vector<1600xf32> to vector<1600x1xf32>
    %mul3A_40 = vector.broadcast %broadcast_in_dim3A_39 : vector<1600x1xf32> to vector<1600x128xf32>
    %mul3A_41 = arith.mulf %mul3A_38, %mul3A_40 : vector<1600x128xf32>
    %swap3A = arith.constant 0 : index
    %swap3A_42 = arith.constant 0 : index
    %swap3A_43 = vector.load %arg7[%swap3A, %swap3A_42] : memref<1600x128xf32, #tpu.memory_space<vmem>>, vector<1600x128xf32>
    tpu.vector_store %arg7[%swap3A, %swap3A_42], %mul3A_41 {strides = array<i32>} : memref<1600x128xf32, #tpu.memory_space<vmem>>, vector<1600x128xf32>,
    return
  }
  func.func @transform_0(%arg0: i32) -> (i32, i32, i32) {
    %add3A = arith.constant 0 : i32
    %add3A_0 = arith.addi %arg0, %add3A : i32
    %c0_i32 = arith.constant 0 : i32
    %c0_i32_1 = arith.constant 0 : i32
    %c0_i32_2 = arith.constant 0 : i32
    return %add3A_0, %c0_i32, %c0_i32_1 : i32, i32, i32
  }
  func.func @transform_1(%arg0: i32) -> (i32, i32, i32) {
    %add3A = arith.constant 0 : i32
    %add3A_0 = arith.addi %arg0, %add3A : i32
    %c0_i32 = arith.constant 0 : i32
    %c0_i32_1 = arith.constant 0 : i32
    %c0_i32_2 = arith.constant 0 : i32
    return %add3A_0, %c0_i32, %c0_i32_1 : i32, i32, i32
  }
  func.func @transform_2(%arg0: i32) -> (i32, i32) {
    %add3A = arith.constant 0 : i32
    %add3A_0 = arith.addi %arg0, %add3A : i32
    %c0_i32 = arith.constant 0 : i32
    %c0_i32_1 = arith.constant 0 : i32
    return %add3A_0, %c0_i32 : i32, i32
  }
  func.func @transform_3(%arg0: i32) -> (i32, i32) {
    %c0_i32 = arith.constant 0 : i32
    %c0_i32_0 = arith.constant 0 : i32
    %c0_i32_1 = arith.constant 0 : i32
    return %c0_i32, %c0_i32_0 : i32, i32
  }
  func.func @transform_4(%arg0: i32) -> (i32, i32) {
    %c0_i32 = arith.constant 0 : i32
    %c0_i32_0 = arith.constant 0 : i32
    %c0_i32_1 = arith.constant 0 : i32
    return %c0_i32, %c0_i32_0 : i32, i32
  }
  func.func @transform_5(%arg0: i32) -> (i32, i32) {
    %c0_i32 = arith.constant 0 : i32
    %c0_i32_0 = arith.constant 0 : i32
    %c0_i32_1 = arith.constant 0 : i32
    return %c0_i32, %c0_i32_0 : i32, i32
  }
  func.func @transform_6(%arg0: i32) -> (i32, i32) {
    %c0_i32 = arith.constant 0 : i32
    %c0_i32_0 = arith.constant 0 : i32
    return %arg0, %c0_i32 : i32, i32
  }
}

module attributes {stable_mosaic.version = 14 : i64} {
  func.func @_msg_body(%arg0: i32, %arg1: memref<1x1x1600xi32, #tpu.memory_space<vmem>>, %arg2: memref<1x1x1600xf32, #tpu.memory_space<vmem>>, %arg3: memref<1600x16xf32, #tpu.memory_space<vmem>>, %arg4: memref<100x128xf32, #tpu.memory_space<vmem>>, %arg5: memref<16x128xf32, #tpu.memory_space<vmem>>, %arg6: memref<1x128xf32, #tpu.memory_space<vmem>>, %arg7: memref<1600x128xf32, #tpu.memory_space<vmem>>) attributes {dimension_semantics = [#tpu.dimension_semantics<arbitrary>], iteration_bounds = array<i64: 80>, scalar_prefetch = 0 : i64, scratch_operands = 0 : i64, tpu.core_type = #tpu.core_type<tc>, window_params = [{transform_indices = @transform_0, window_bounds = array<i64: 1, 1, 1600>}, {transform_indices = @transform_1, window_bounds = array<i64: 1, 1, 1600>}, {transform_indices = @transform_2, window_bounds = array<i64: 1600, 16>}, {pipeline_mode = #tpu.pipeline_mode<synchronous>, transform_indices = @transform_3, window_bounds = array<i64: 100, 128>}, {pipeline_mode = #tpu.pipeline_mode<synchronous>, transform_indices = @transform_4, window_bounds = array<i64: 16, 128>}, {pipeline_mode = #tpu.pipeline_mode<synchronous>, transform_indices = @transform_5, window_bounds = array<i64: 1, 128>}, {transform_indices = @transform_6, window_bounds = array<i64: 1600, 128>}]} {
    %get3A = arith.constant 0 : index
    %get3A_0 = arith.constant 0 : index
    %get3A_1 = arith.constant 0 : index
    %get3A_2 = vector.load %arg1[%get3A, %get3A_0, %get3A_1] : memref<1x1x1600xi32, #tpu.memory_space<vmem>>, vector<1x1x1600xi32>
    %get3A_3 = vector.shape_cast %get3A_2 : vector<1x1x1600xi32> to vector<1600xi32>
    %get3A_4 = arith.constant 0 : index
    %get3A_5 = arith.constant 0 : index
    %get3A_6 = arith.constant 0 : index
    %get3A_7 = vector.load %arg2[%get3A_4, %get3A_5, %get3A_6] : memref<1x1x1600xf32, #tpu.memory_space<vmem>>, vector<1x1x1600xf32>
    %get3A_8 = vector.shape_cast %get3A_7 : vector<1x1x1600xf32> to vector<1600xf32>
    %get3A_9 = arith.constant 0 : index
    %get3A_10 = arith.constant 0 : index
    %get3A_11 = vector.load %arg3[%get3A_9, %get3A_10] : memref<1600x16xf32, #tpu.memory_space<vmem>>, vector<1600x16xf32>
    %mul3A = arith.constant 0.628318548 : f32
    %mul3A_12 = vector.broadcast %mul3A : f32 to vector<1600xf32>
    %mul3A_13 = arith.mulf %get3A_8, %mul3A_12 : vector<1600xf32>
    %cos3A = math.cos %mul3A_13 : vector<1600xf32>
    %add3A = arith.constant 1.000000e+00 : f32
    %add3A_14 = vector.broadcast %add3A : f32 to vector<1600xf32>
    %add3A_15 = arith.addf %cos3A, %add3A_14 : vector<1600xf32>
    %mul3A_16 = arith.constant 5.000000e-01 : f32
    %mul3A_17 = vector.broadcast %mul3A_16 : f32 to vector<1600xf32>
    %mul3A_18 = arith.mulf %mul3A_17, %add3A_15 : vector<1600xf32>
    %lt3A = arith.constant 5.000000e+00 : f32
    %lt3A_19 = vector.broadcast %lt3A : f32 to vector<1600xf32>
    %lt3A_20 = arith.cmpf olt, %get3A_8, %lt3A_19 : vector<1600xf32>
    %jit3A = arith.constant 0.000000e+00 : f32
    %broadcast_in_dim3A = vector.broadcast %jit3A : f32 to vector<1600xf32>
    %select_n3A = arith.select %lt3A_20, %mul3A_18, %broadcast_in_dim3A : vector<1600xi1>, vector<1600xf32>
    %iota3A = tpu.iota {dimensions = array<i32: 1>} : vector<1600x100xi32>
    %broadcast_in_dim3A_21 = vector.shape_cast %get3A_3 : vector<1600xi32> to vector<1600x1xi32>
    %eq3A = vector.broadcast %broadcast_in_dim3A_21 : vector<1600x1xi32> to vector<1600x100xi32>
    %eq3A_22 = arith.cmpi eq, %iota3A, %eq3A : vector<1600x100xi32>
    %convert_element_type3A = arith.extui %eq3A_22 : vector<1600x100xi1> to vector<1600x100xi32>
    %convert_element_type3A_23 = arith.sitofp %convert_element_type3A : vector<1600x100xi32> to vector<1600x100xf32>
    %get3A_24 = arith.constant 0 : index
    %get3A_25 = arith.constant 0 : index
    %get3A_26 = vector.load %arg4[%get3A_24, %get3A_25] : memref<100x128xf32, #tpu.memory_space<vmem>>, vector<100x128xf32>
    %dot_general3A = arith.constant dense<0.000000e+00> : vector<1600x128xf32>
    %dot_general3A_27 = tpu.matmul %convert_element_type3A_23, %get3A_26, %dot_general3A {dimension_numbers = #tpu.dot_dimension_numbers<[1], [0], [0], [1], [0, 0, 1, 1], [], []>, transpose_lhs_hint = false} : vector<1600x100xf32>, vector<100x128xf32>, vector<1600x128xf32> -> vector<1600x128xf32>
    %get3A_28 = arith.constant 0 : index
    %get3A_29 = arith.constant 0 : index
    %get3A_30 = vector.load %arg5[%get3A_28, %get3A_29] : memref<16x128xf32, #tpu.memory_space<vmem>>, vector<16x128xf32>
    %dot_general3A_31 = arith.constant dense<0.000000e+00> : vector<1600x128xf32>
    %dot_general3A_32 = tpu.matmul %get3A_11, %get3A_30, %dot_general3A_31 {dimension_numbers = #tpu.dot_dimension_numbers<[1], [0], [0], [1], [0, 0, 1, 1], [], []>, transpose_lhs_hint = false} : vector<1600x16xf32>, vector<16x128xf32>, vector<1600x128xf32> -> vector<1600x128xf32>
    %get3A_33 = arith.constant 0 : index
    %get3A_34 = arith.constant 0 : index
    %get3A_35 = vector.load %arg6[%get3A_33, %get3A_34] : memref<1x128xf32, #tpu.memory_space<vmem>>, vector<1x128xf32>
    %add3A_36 = vector.broadcast %get3A_35 : vector<1x128xf32> to vector<1600x128xf32>
    %add3A_37 = arith.addf %dot_general3A_32, %add3A_36 : vector<1600x128xf32>
    %mul3A_38 = arith.mulf %dot_general3A_27, %add3A_37 : vector<1600x128xf32>
    %broadcast_in_dim3A_39 = vector.shape_cast %select_n3A : vector<1600xf32> to vector<1600x1xf32>
    %mul3A_40 = vector.broadcast %broadcast_in_dim3A_39 : vector<1600x1xf32> to vector<1600x128xf32>
    %mul3A_41 = arith.mulf %mul3A_38, %mul3A_40 : vector<1600x128xf32>
    %swap3A = arith.constant 0 : index
    %swap3A_42 = arith.constant 0 : index
    %swap3A_43 = vector.load %arg7[%swap3A, %swap3A_42] : memref<1600x128xf32, #tpu.memory_space<vmem>>, vector<1600x128xf32>
    tpu.vector_store %arg7[%swap3A, %swap3A_42], %mul3A_41 {strides = array<i32>} : memref<1600x128xf32, #tpu.memory_space<vmem>>, vector<1600x128xf32>,
    return
  }
  func.func @transform_0(%arg0: i32) -> (i32, i32, i32) {
    %add3A = arith.constant 120 : i32
    %add3A_0 = arith.addi %arg0, %add3A : i32
    %c0_i32 = arith.constant 0 : i32
    %c0_i32_1 = arith.constant 0 : i32
    %c0_i32_2 = arith.constant 0 : i32
    return %add3A_0, %c0_i32, %c0_i32_1 : i32, i32, i32
  }
  func.func @transform_1(%arg0: i32) -> (i32, i32, i32) {
    %add3A = arith.constant 120 : i32
    %add3A_0 = arith.addi %arg0, %add3A : i32
    %c0_i32 = arith.constant 0 : i32
    %c0_i32_1 = arith.constant 0 : i32
    %c0_i32_2 = arith.constant 0 : i32
    return %add3A_0, %c0_i32, %c0_i32_1 : i32, i32, i32
  }
  func.func @transform_2(%arg0: i32) -> (i32, i32) {
    %add3A = arith.constant 120 : i32
    %add3A_0 = arith.addi %arg0, %add3A : i32
    %c0_i32 = arith.constant 0 : i32
    %c0_i32_1 = arith.constant 0 : i32
    return %add3A_0, %c0_i32 : i32, i32
  }
  func.func @transform_3(%arg0: i32) -> (i32, i32) {
    %c0_i32 = arith.constant 0 : i32
    %c0_i32_0 = arith.constant 0 : i32
    %c0_i32_1 = arith.constant 0 : i32
    return %c0_i32, %c0_i32_0 : i32, i32
  }
  func.func @transform_4(%arg0: i32) -> (i32, i32) {
    %c0_i32 = arith.constant 0 : i32
    %c0_i32_0 = arith.constant 0 : i32
    %c0_i32_1 = arith.constant 0 : i32
    return %c0_i32, %c0_i32_0 : i32, i32
  }
  func.func @transform_5(%arg0: i32) -> (i32, i32) {
    %c0_i32 = arith.constant 0 : i32
    %c0_i32_0 = arith.constant 0 : i32
    %c0_i32_1 = arith.constant 0 : i32
    return %c0_i32, %c0_i32_0 : i32, i32
  }
  func.func @transform_6(%arg0: i32) -> (i32, i32) {
    %c0_i32 = arith.constant 0 : i32
    %c0_i32_0 = arith.constant 0 : i32
    return %arg0, %c0_i32 : i32, i32
  }
}

module attributes {stable_mosaic.version = 14 : i64} {
  func.func @_comb_body(%arg0: i32, %arg1: memref<1000x128xf32, #tpu.memory_space<vmem>>, %arg2: memref<1000x128xf32, #tpu.memory_space<vmem>>, %arg3: memref<1000x128xf32, #tpu.memory_space<vmem>>, %arg4: memref<128x128xf32, #tpu.memory_space<vmem>>, %arg5: memref<128x128xf32, #tpu.memory_space<vmem>>, %arg6: memref<1x128xf32, #tpu.memory_space<vmem>>, %arg7: memref<1000x128xf32, #tpu.memory_space<vmem>>) attributes {dimension_semantics = [#tpu.dimension_semantics<arbitrary>], iteration_bounds = array<i64: 10>, scalar_prefetch = 0 : i64, scratch_operands = 0 : i64, tpu.core_type = #tpu.core_type<tc>, window_params = [{transform_indices = @transform_0, window_bounds = array<i64: 1000, 128>}, {transform_indices = @transform_1, window_bounds = array<i64: 1000, 128>}, {transform_indices = @transform_2, window_bounds = array<i64: 1000, 128>}, {pipeline_mode = #tpu.pipeline_mode<synchronous>, transform_indices = @transform_3, window_bounds = array<i64: 128, 128>}, {pipeline_mode = #tpu.pipeline_mode<synchronous>, transform_indices = @transform_4, window_bounds = array<i64: 128, 128>}, {pipeline_mode = #tpu.pipeline_mode<synchronous>, transform_indices = @transform_5, window_bounds = array<i64: 1, 128>}, {transform_indices = @transform_6, window_bounds = array<i64: 1000, 128>}]} {
    %get3A = arith.constant 0 : index
    %get3A_0 = arith.constant 0 : index
    %get3A_1 = vector.load %arg2[%get3A, %get3A_0] : memref<1000x128xf32, #tpu.memory_space<vmem>>, vector<1000x128xf32>
    %get3A_2 = arith.constant 0 : index
    %get3A_3 = arith.constant 0 : index
    %get3A_4 = vector.load %arg3[%get3A_2, %get3A_3] : memref<1000x128xf32, #tpu.memory_space<vmem>>, vector<1000x128xf32>
    %add3A = arith.addf %get3A_1, %get3A_4 : vector<1000x128xf32>
    %get3A_5 = arith.constant 0 : index
    %get3A_6 = arith.constant 0 : index
    %get3A_7 = vector.load %arg1[%get3A_5, %get3A_6] : memref<1000x128xf32, #tpu.memory_space<vmem>>, vector<1000x128xf32>
    %get3A_8 = arith.constant 0 : index
    %get3A_9 = arith.constant 0 : index
    %get3A_10 = vector.load %arg4[%get3A_8, %get3A_9] : memref<128x128xf32, #tpu.memory_space<vmem>>, vector<128x128xf32>
    %dot_general3A = arith.constant dense<0.000000e+00> : vector<1000x128xf32>
    %dot_general3A_11 = tpu.matmul %get3A_7, %get3A_10, %dot_general3A {dimension_numbers = #tpu.dot_dimension_numbers<[1], [0], [0], [1], [0, 0, 1, 1], [], []>, transpose_lhs_hint = false} : vector<1000x128xf32>, vector<128x128xf32>, vector<1000x128xf32> -> vector<1000x128xf32>
    %get3A_12 = arith.constant 0 : index
    %get3A_13 = arith.constant 0 : index
    %get3A_14 = vector.load %arg5[%get3A_12, %get3A_13] : memref<128x128xf32, #tpu.memory_space<vmem>>, vector<128x128xf32>
    %dot_general3A_15 = arith.constant dense<0.000000e+00> : vector<1000x128xf32>
    %dot_general3A_16 = tpu.matmul %add3A, %get3A_14, %dot_general3A_15 {dimension_numbers = #tpu.dot_dimension_numbers<[1], [0], [0], [1], [0, 0, 1, 1], [], []>, transpose_lhs_hint = false} : vector<1000x128xf32>, vector<128x128xf32>, vector<1000x128xf32> -> vector<1000x128xf32>
    %add3A_17 = arith.addf %dot_general3A_11, %dot_general3A_16 : vector<1000x128xf32>
    %get3A_18 = arith.constant 0 : index
    %get3A_19 = arith.constant 0 : index
    %get3A_20 = vector.load %arg6[%get3A_18, %get3A_19] : memref<1x128xf32, #tpu.memory_space<vmem>>, vector<1x128xf32>
    %add3A_21 = vector.broadcast %get3A_20 : vector<1x128xf32> to vector<1000x128xf32>
    %add3A_22 = arith.addf %add3A_17, %add3A_21 : vector<1000x128xf32>
    %swap3A = arith.constant 0 : index
    %swap3A_23 = arith.constant 0 : index
    %swap3A_24 = vector.load %arg7[%swap3A, %swap3A_23] : memref<1000x128xf32, #tpu.memory_space<vmem>>, vector<1000x128xf32>
    tpu.vector_store %arg7[%swap3A, %swap3A_23], %add3A_22 {strides = array<i32>} : memref<1000x128xf32, #tpu.memory_space<vmem>>, vector<1000x128xf32>,
    return
  }
  func.func @transform_0(%arg0: i32) -> (i32, i32) {
    %c0_i32 = arith.constant 0 : i32
    %c0_i32_0 = arith.constant 0 : i32
    return %arg0, %c0_i32 : i32, i32
  }
  func.func @transform_1(%arg0: i32) -> (i32, i32) {
    %c0_i32 = arith.constant 0 : i32
    %c0_i32_0 = arith.constant 0 : i32
    return %arg0, %c0_i32 : i32, i32
  }
  func.func @transform_2(%arg0: i32) -> (i32, i32) {
    %c0_i32 = arith.constant 0 : i32
    %c0_i32_0 = arith.constant 0 : i32
    return %arg0, %c0_i32 : i32, i32
  }
  func.func @transform_3(%arg0: i32) -> (i32, i32) {
    %c0_i32 = arith.constant 0 : i32
    %c0_i32_0 = arith.constant 0 : i32
    %c0_i32_1 = arith.constant 0 : i32
    return %c0_i32, %c0_i32_0 : i32, i32
  }
  func.func @transform_4(%arg0: i32) -> (i32, i32) {
    %c0_i32 = arith.constant 0 : i32
    %c0_i32_0 = arith.constant 0 : i32
    %c0_i32_1 = arith.constant 0 : i32
    return %c0_i32, %c0_i32_0 : i32, i32
  }
  func.func @transform_5(%arg0: i32) -> (i32, i32) {
    %c0_i32 = arith.constant 0 : i32
    %c0_i32_0 = arith.constant 0 : i32
    %c0_i32_1 = arith.constant 0 : i32
    return %c0_i32, %c0_i32_0 : i32, i32
  }
  func.func @transform_6(%arg0: i32) -> (i32, i32) {
    %c0_i32 = arith.constant 0 : i32
    %c0_i32_0 = arith.constant 0 : i32
    return %arg0, %c0_i32 : i32, i32
  }
}

</mosaic_0001>

<sc_bundles>
// kernel: kernel.11.cloned.1.call-start
scs
__scs_entry_jumppad:
0x0: {  	(pc) =	sbr.rel $0x88, $3  }
0x1: {  	(tag) =	ssettag $0x0;
	lr =	simm.s32 $0x1  }
0x2: {  	[smem:$0x3F96] =	sst lr;
	_ =	strace $0xD0000000  }
0x3: {  	_ = 	snop  }
0x4: {  	_ = 	snop  }
0x5: {  	_ = 	snop  }
0x6: {  	_ = 	snop  }
0x7: {  	_ = 	snop  }
__scs_overlays_trampoline_lowered:
0x8: {  	[smem:$0x3FA5] =	sst s0  }
0x9: {  	[smem:$0x3FA6] =	sst s1  }
0xa: {  	[smem:$0x3FA7] =	sst s2  }
0xb: {  	[smem:$0x3FA8] =	sst s3  }
0xc: {  	[smem:$0x3FA9] =	sst s4  }
0xd: {  	[smem:$0x3FAA] =	sst s5  }
0xe: {  	[smem:$0x3FAB] =	sst s6  }
0xf: {  	[smem:$0x3FAC] =	sst s7  }
0x10: {  	[smem:$0x3FAD] =	sst s8  }
0x11: {  	[smem:$0x3FAE] =	sst s9;
	s0 =	simm.s32 @!p0 $0x0  }
0x12: {  	s1 =	sld [smem:$0x3F94];
	s0 =	simm.s32 @p0 $0x1  }
0x13: {  	[smem:$0x3FAF] =	sst s0;
	s0 =	simm.s32 @!p1 $0x0  }
0x14: {  	s2 =	sld [smem:$0x3F93];
	s0 =	simm.s32 @p1 $0x1  }
0x15: {  	[smem:$0x3FB0] =	sst s0;
	s0 =	simm.s32 @!p2 $0x0  }
0x16: {  	s3 =	sld [smem:$0x3FDB];
	s0 =	simm.s32 @p2 $0x1  }
0x17: {  	s4 =	simm.s32 $0x1BF5;
	[smem:$0x3FB2] =	sst s0  }
0x18: {  	s0 =	sld [smem:$0x3F95];
	_ =	swait.ge [sflag:s4], $0x0  }
0x19: {  	s7 =	sld [smem:$0x3F96]  }
0x1a: {  	s8 =	sadd.s32 $0xFFFFE003, lr  }
0x1b: {  	s9 =	sadd.s32 $0xFFFFFEF7, lr;
	s5 =	simm.s32 $0xFFFFFFFF;
	p2 =	slt.u32 s8, $0xFFFFF086  }
0x1c: {  	p1 =	slt.u32 s9, $0xF7A;
	s5 =	simm.s32 @!p2 $0x0  }
0x1d: {  	s5 =	simm.s32 @p1 $0x1;
	p0 =	seq.s32 s7, s2  }
0x1e: {  	s7 =	smul.u32 @!p0 $0xF7A, s2;
	p2 =	seq.s32 @!p0 s5, $0x0  }
0x1f: {  	s9 =	smul.u32 $0xF7A, s1;
	s8 =	simm.s32 @!p0 $0x1BF5;
	p2 =	por !p2, p0  }
0x20: {  	[sflag:s8] =	ssyncset.s32 @!p0 $0xFFFFF086;
	s6 =	sadd.s32 @!p0 s3, s7;
	s7 =	simm.s32 @!p0 $0x108  }
0x21: {  	s3 =	sadd.s32 s3, s9;
	s6 =	sadd.s32 @!p0 $0x88, s6;
	s7 =	simm.s32 @p2 $0x1082  }
0x22: {  	[simem:s7], [sflag:s8] =	dma.local @!p0 [hbm:s6], $0xF7A  }
0x23: {  	s9 =	sor.u32 $0xD0000000, s2;
	s6 =	simm.s32 $0x108;
	_ =	swait.ge @!p0 [sflag:s8], $0x0  }
0x24: {  	s3 =	sadd.s32 $0x88, s3;
	s6 =	simm.s32 @!p1 $0x1082;
	[sflag:s4] =	ssyncset.s32 $0xFFFFF086  }
0x25: {  	[simem:s6], [sflag:s4] =	dma.local [hbm:s3], $0xF7A  }
0x26: {  	[smem:$0x3F96] =	sst s1;
	(tag) =	ssettag s2;
	_ =	strace s9  }
0x27: {  	s1 =	sld [smem:$0x3FA6]  }
0x28: {  	s2 =	sld [smem:$0x3FA7]  }
0x29: {  	s4 =	sld [smem:$0x3FA9]  }
0x2a: {  	p0 =	seq.s32 s5, $0x0;
	s5 =	sld [smem:$0x3FAA]  }
0x2b: {  	s6 =	sld [smem:$0x3FAB]  }
0x2c: {  	s7 =	sld [smem:$0x3FAC]  }
0x2d: {  	s3 =	simm.s32 $0x108;
	s8 =	sld [smem:$0x3FAD]  }
0x2e: {  	s3 =	simm.s32 @!p0 $0x1082;
	s9 =	sld [smem:$0x3FAE]  }
0x2f: {  	lr =	sadd.s32 s0, s3;
	s0 =	sld [smem:$0x3FA5]  }
0x30: {  	s3 =	sld [smem:$0x3FA8]  }
0x31: {  	[smem:$0x3FB1] =	sst s10  }
0x32: {  	s10 =	sld [smem:$0x3FAF];
	_ =	sdelay $0x3  }
0x33: {  	p0 =	seq.s32 s10, $0x1;
	s10 =	sld [smem:$0x3FB1];
	_ =	sdelay $0x3  }
0x34: {  	[smem:$0x3FB1] =	sst s10  }
0x35: {  	s10 =	sld [smem:$0x3FB0];
	_ =	sdelay $0x3  }
0x36: {  	p1 =	seq.s32 s10, $0x1;
	s10 =	sld [smem:$0x3FB1];
	_ =	sdelay $0x3  }
0x37: {  	[smem:$0x3FB1] =	sst s10  }
0x38: {  	s10 =	sld [smem:$0x3FB2]  }
0x39: {  	_ = 	snop;
	(pc) =	sbr.ind lr, $3  }
0x3a: {  	_ = 	snop  }
0x3b: {  	_ = 	snop  }
0x3c: {  	p2 =	seq.s32 s10, $0x1;
	s10 =	sld [smem:$0x3FB1]  }
0x3d: {  	_ =	shalt  }
0x3e: {  	_ =	shalt  }
0x3f: {  	_ =	shalt  }
0x40: {  	_ =	shalt  }
0x41: {  	_ =	shalt  }
0x42: {  	_ =	shalt  }
0x43: {  	_ =	shalt  }
0x44: {  	_ =	shalt  }
0x45: {  	_ =	shalt  }
0x46: {  	_ =	shalt  }
0x47: {  	_ =	shalt  }
0x48: {  	_ =	shalt  }
0x49: {  	_ =	shalt  }
0x4a: {  	_ =	shalt  }
0x4b: {  	_ =	shalt  }
0x4c: {  	_ =	shalt  }
0x4d: {  	_ =	shalt  }
0x4e: {  	_ =	shalt  }
0x4f: {  	_ =	shalt  }
0x50: {  	_ =	shalt  }
0x51: {  	_ =	shalt  }
0x52: {  	_ =	shalt  }
0x53: {  	_ =	shalt  }
0x54: {  	_ =	shalt  }
0x55: {  	_ =	shalt  }
0x56: {  	_ =	shalt  }
0x57: {  	_ =	shalt  }
0x58: {  	_ =	shalt  }
0x59: {  	_ =	shalt  }
0x5a: {  	_ =	shalt  }
0x5b: {  	_ =	shalt  }
0x5c: {  	_ =	shalt  }
0x5d: {  	_ =	shalt  }
0x5e: {  	_ =	shalt  }
0x5f: {  	_ =	shalt  }
0x60: {  	_ =	shalt  }
0x61: {  	_ =	shalt  }
0x62: {  	_ =	shalt  }
0x63: {  	_ =	shalt  }
0x64: {  	_ =	shalt  }
0x65: {  	_ =	shalt  }
0x66: {  	_ =	shalt  }
0x67: {  	_ =	shalt  }
0x68: {  	_ =	shalt  }
0x69: {  	_ =	shalt  }
0x6a: {  	_ =	shalt  }
0x6b: {  	_ =	shalt  }
0x6c: {  	_ =	shalt  }
0x6d: {  	_ =	shalt  }
0x6e: {  	_ =	shalt  }
0x6f: {  	_ =	shalt  }
0x70: {  	_ =	shalt  }
0x71: {  	_ =	shalt  }
0x72: {  	_ =	shalt  }
0x73: {  	_ =	shalt  }
0x74: {  	_ =	shalt  }
0x75: {  	_ =	shalt  }
0x76: {  	_ =	shalt  }
0x77: {  	_ =	shalt  }
0x78: {  	_ =	shalt  }
0x79: {  	_ =	shalt  }
0x7a: {  	_ =	shalt  }
0x7b: {  	_ =	shalt  }
0x7c: {  	_ =	shalt  }
0x7d: {  	_ =	shalt  }
0x7e: {  	_ =	shalt  }
0x7f: {  	_ =	shalt  }
0x80: {  	_ =	shalt  }
0x81: {  	_ =	shalt  }
0x82: {  	_ =	shalt  }
0x83: {  	_ =	shalt  }
0x84: {  	_ =	shalt  }
0x85: {  	_ =	shalt  }
0x86: {  	_ =	shalt  }
0x87: {  	_ =	shalt  }
.Lfunc_end0:
.L_simem_size_0:
called_computation.1_lowered:
.L_overlay_start_0:
0x88: {  	s2 =	sld [smem:$0x3FD9]  }
0x89: {  	s3 =	sld [smem:$0x3FFE];
	_ =	sdelay $0x1  }
0x8a: {  	s1 =	srdreg.scid  }
0x8b: {  	s0 =	sand.u32 $0x1, s1  }
0x8c: {  	s17 =	sshll.u32 s0, $0xA;
	s2 =	sadd.s32 s3, s2  }
0x8d: {  	s2 =	sadd.s32 s2, s17  }
0x8e: {  	[smem:$0x3FBD] =	sst s2  }
0x8f: {  	_ = 	snop  }
0x90: {  	s2 =	sld [smem:$0x3FC6];
	(tm) =	ssettm $0x1  }
0x91: {  	s18 =	sld [smem:$0x3FFB];
	_ =	sdelay $0x3  }
0x92: {  	_ =	strace s18  }
0x93: {  	s3 =	sld [smem:$0x3FFC];
	_ =	sdelay $0x3  }
0x94: {  	_ =	strace s3  }
0x95: {  	s3 =	sld [smem:$0x3FFD];
	_ =	sdelay $0x3  }
0x96: {  	_ =	strace s3  }
0x97: {  	_ =	strace $0x8FFFFFFF  }
0x98: {  	s19 =	sld [smem:$0x3FDB];
	_ =	sdelay $0x1  }
0x99: {  	s4 =	simm.s32 $_scs_section_size  }
0x9a: {  	s5 =	simm.s32 $_size__tile_overlayer_lowered;
	s6 =	simm.s32 $_tile_overlayer_lowered  }
0x9b: {  	s22 =	simm.s32 $0x1BFF;
	s21 =	sshll.u32 s6, $0x1;
	s3 =	sadd.s32 s4, s19  }
0x9c: {  	s7 =	simm.s32 $0x0;
	s20 =	sshll.u32 s5, $0x1;
	s5 =	sadd.s32 s21, s3  }
0x9d: {  	[timem:s7], [sflag:s22] =	dma.local [hbm:s5], s20  }
0x9e: {  	_ =	swait.ge [sflag:s22], s20  }
0x9f: {  	s4 =	ssub.s32 $0x0, s20;
	[sflag:s22] =	ssyncset.done $0x0  }
0xa0: {  	[sflag:s22] =	ssyncadd.s32 s4;
	_ =	sdelay $0x1  }
0xa1: {  	s23 =	simm.s32 $0x1B8B  }
0xa2: {  	_ =	swait.ge [sflag:s23], $0x1  }
0xa3: {  	[sflag:s23] =	ssyncset.done $0x0  }
0xa4: {  	s25 =	simm.s32 $0x1B8E;
	s24 =	sld [smem:$0x3FFE];
	[sflag:s23] =	ssyncadd.s32 $0xFFFFFFFF  }
0xa5: {  	s26 =	simm.s32 $execute0_lowered;
	[smem:$0x3FD2] =	sst s25  }
0xa6: {  	s5 =	sshll.u32 s26, $0x1;
	_ =	strace $0x80000049;
	[dreg:$0x1] =	wrdreg $0xFFFFFFFF  }
0xa7: {  	s28 =	simm.s32 $_size_execute0_lowered;
	s3 =	sadd.s32 s3, s5;
	[dreg:$0x0] =	wrdreg $0x0  }
0xa8: {  	s5 =	sshll.u32 s28, $0x1;
	[dreg:$0x2] =	wrdreg s3  }
0xa9: {  	[dreg:$0x3] =	wrdreg s5  }
0xaa: {  	[dreg:$0x4] =	wrdreg $0xC0  }
0xab: {  	_ =	task [dreg:s7], $0x5FFFF  }
0xac: {  	[dreg:$0x1] =	wrdreg $0xFFFFFFFF  }
0xad: {  	[dreg:$0x0] =	wrdreg $0x60  }
0xae: {  	[dreg:$0x2] =	wrdreg s2  }
0xaf: {  	[dreg:$0x3] =	wrdreg s24  }
0xb0: {  	[dreg:$0x4] =	wrdreg $0x0  }
0xb1: {  	[dreg:$0x5] =	wrdreg $0x9  }
0xb2: {  	_ =	task.clear_ibuf [dreg:s7], $0x6FFFF;
	_ =	strace $0x90000049  }
0xb3: {  	s29 =	simm.s32 $0x9;
	_ =	strace $0x8000004B  }
0xb4: {  	_ =	swait.ge [sflag:s29], $0x1  }
0xb5: {  	[sflag:s29] =	ssyncadd.s32 $0xFFFFFFFF  }
0xb6: {  	_ =	strace $0x9000004B  }
0xb7: {  	_ =	sfence  }
0xb8: {  	s30 =	sld [smem:$0x0];
	_ =	sdelay $0x2  }
0xb9: {  	s31 =	sshll.u32 s1, $0xD;
	s1 =	sshrl.u32 s1, $0x2  }
0xba: {  	s3 =	sand.u32 $0x4000, s31;
	s1 =	sadd.s32 s1, s30  }
0xbb: {  	s0 =	sor.u32 s3, s0;
	s1 =	sshll.u32 s1, $0x11  }
0xbc: {  	s0 =	sor.u32 s1, s0  }
0xbd: {  	s0 =	sadd.s32 $0x8F2B, s0  }
0xbe: {  	[sflag:s0] =	ssyncadd.remote.s32 $0x1  }
0xbf: {  	_ =	sfence.sel $0xFFFF  }
0xc0: {  	[dreg:$0x0] =	wrdreg $0xFFFFFFFF;
	(pc) =	sbr.abs _section_cstart, $3  }
0xc1: {  	[dreg:$0x1] =	wrdreg $0xFFFFFFFF  }
0xc2: {  	_ =	task.clear_ibuf [dreg:s7], $0x2FFFF;
	_ =	strace $0x9FFFFFFF  }
0xc3: {  	(tm) =	ssettm $0x7FFFFFFF  }
tec
execute0_lowered:
.L_overlay_start_1:
0x0: {  	(tag) =	ssettag $0x1  }
0x1: {  	s8 =	rddreg [dreg:$0x0]  }
0x2: {  	s4 =	rddreg [dreg:$0x1]  }
0x3: {  	s2 =	rddreg [dreg:$0x2]  }
0x4: {  	s0 =	rddreg [dreg:$0x3];
	s1 =	stileid.u32  }
0x5: {  	s5 =	srdreg.scid;
	s3 =	simm.s32 $0x0;
	s6 =	smul.u32 $0x177000, s1  }
0x6: {  	s12 =	simm.s32 $0x80;
	s13 =	simm.s32 $0xA028;
	s9 =	smul.u32 $0x1F400, s1  }
0x7: {  	s14 =	simm.s32 $0x3E8;
	s15 =	simm.s32 $0x0;
	s26 =	smul.u32 $0x3E800, s1  }
0x8: {  	s5 =	sand.u32 $0x1, s5;
	[smem:$0x7FF] =	sst s3;
	s11 =	smul.u32 $0x5DC, s1  }
0x9: {  	p0 =	sgt.u32 s1, $0x9;
	s7 =	sshll.u32 s5, $0x6;
	_ =	strace $0x8000004A  }
0xa: {  	s5 =	ssub.s32 $0x2, s5;
	s6 =	sor.u32 s7, s6;
	s7 =	sor.u32 s7, s9  }
0xb: {  	s29 =	sshrl.u32 s5, $0x1;
	s30 =	sshrl.u32 s26, $0x2;
	s8 =	sadd.s32 s11, s8  }
0xc: {  	s9 =	simm.s32 $0x9C40;
	s6 =	sshrl.u32 s6, $0x3;
	s28 =	sshrl.u32 s7, $0x3  }
0xd: {  	s11 =	simm.s32 $0x40;
	s10 =	sadd.s32 s6, s4;
	s6 =	sadd.s32 s28, s4  }
0xe: {  	s31 =	ssub.s32 s5, s29;
	s4 =	sadd.s32 s30, s2;
	s5 =	sadd.s32 $0x7D2000, s6  }
0xf: {  	v0 =	vimm.f32 $0.0e+00;
	s6 =	smax.u32 s31, $0x1;
	s7 =	sadd.s32 $0x4E4000, s10;
	s10 =	simm.s32 $0x1  }
.LBB2_1:
0x10: {  	s17 =	simm.s32 $0x100;
	s16 =	simm.s32 $0x0  }
.LBB2_2:
0x11: {  	p1 =	sne.s32 s17, $0x3E700;
	[tilespmem:s16+$0xA058] =	vst v0;
	s18 =	smov.u32 s17;
	s17 =	sadd.s32 $0x100, s17  }
.Ltmp0:
0x12: {  	[tilespmem:s16+$0xA048] =	vst v0;
	(pc) =	sbr.rel @p1 .LBB2_2-.Ltmp0, $3  }
0x13: {  	[tilespmem:s16+$0xA028] =	vst v0  }
0x14: {  	[tilespmem:s16+$0xA038] =	vst v0;
	_ =	sdelay $0x1  }
0x15: {  	s16 =	sshra.s32 s18, $0x2  }
0x16: {  	[tilespmem:s16+$0xA058] =	vst v0  }
0x17: {  	[tilespmem:s16+$0xA048] =	vst v0  }
0x18: {  	[tilespmem:s16+$0xA028] =	vst v0  }
0x19: {  	[tilespmem:s16+$0xA038] =	vst v0;
	s16 =	simm.s32 @!p0 $0xA028  }
0x1a: {  	[spmem:s4] =	stream.linear.scatter @!p0 [tilespmem:s16], [sflag:$0x1], $0xFA00, $0x38;
	[tilespmem:$0x19A28] =	vst v63  }
0x1b: {  	s16 =	simm.s32 @!p0 $0x1  }
0x1c: {  	_ =	swait.ge @!p0 [sflag:s16], $0xFA00  }
0x1d: {  	[sflag:s16] =	ssyncset.done @!p0 $0x0  }
0x1e: {  	[sflag:s16] =	ssyncadd.s32 @!p0 $0xFFFF0600  }
0x1f: {  	s31 =	sadd.s32 $0x0, s8;
	[bflag:$0x0] =	sbarrier.arrive $0xFFFF  }
0x20: {  	[tilespmem:s9], [sflag:$0x1] =	stream.linear.gather [hbm4b:s31+s3], $0x3E8, $0x38;
	[tilespmem:$0x19A28] =	vst v63  }
0x21: {  	_ =	swait.ge [sflag:s10], $0x3E8  }
0x22: {  	[sflag:s10] =	ssyncset.done $0x0  }
0x23: {  	[sflag:s10] =	ssyncadd.s32 $0xFFFFFC18  }
0x24: {  	[tilespmem:s13], [sflag:$0x1] =	stream.strided.gather [hbm4b:s7+s11], $0xFA00, s12, s11, $0x38;
	[tilespmem:$0x19A28] =	vst v63  }
0x25: {  	_ =	swait.ge [sflag:s10], $0xFA00  }
0x26: {  	[sflag:s10] =	ssyncset.done $0x0  }
0x27: {  	[sflag:s10] =	ssyncadd.s32 $0xFFFF0600  }
0x28: {  	[spmem:s2] =	stream.indirect.scatter.add.f32 [tilespmem:s13], [sflag:$0x1], $0x40, s9, s14, $0xb8;
	[tilespmem:$0x19A28] =	vst v63  }
0x29: {  	s17 =	simm.s32 $0x7D;
	_ =	swait.ge [sflag:s10], $0xFA00  }
0x2a: {  	s18 =	simm.s32 $0xFA;
	s16 =	sadd.s32 $0x3E80, s7;
	[sflag:s10] =	ssyncset.done $0x0  }
.LBB2_4:
0x2b: {  	s19 =	sadd.s32 s17, s8  }
0x2c: {  	[sflag:s10] =	ssyncadd.s32 $0xFFFF0600;
	s17 =	smov.u32 s18;
	s20 =	sadd.s32 $0x7D, s18  }
0x2d: {  	[tilespmem:s9], [sflag:$0x1] =	stream.linear.gather [hbm4b:s19+s3], $0x3E8, $0x38;
	[tilespmem:$0x19A28] =	vst v63  }
0x2e: {  	p1 =	sne.s32 s18, $0x55F;
	_ =	swait.ge [sflag:s10], $0x3E8  }
0x2f: {  	[sflag:s10] =	ssyncset.done $0x0  }
0x30: {  	[sflag:s10] =	ssyncadd.s32 $0xFFFFFC18  }
0x31: {  	[tilespmem:s13], [sflag:$0x1] =	stream.strided.gather [hbm4b:s16+s11], $0xFA00, s12, s11, $0x38;
	[tilespmem:$0x19A28] =	vst v63  }
0x32: {  	_ =	swait.ge [sflag:s10], $0xFA00  }
.Ltmp1:
0x33: {  	[sflag:s10] =	ssyncset.done $0x0;
	(pc) =	sbr.rel @p1 .LBB2_4-.Ltmp1, $4  }
0x34: {  	[sflag:s10] =	ssyncadd.s32 $0xFFFF0600  }
0x35: {  	[spmem:s2] =	stream.indirect.scatter.add.f32 [tilespmem:s13], [sflag:$0x1], $0x40, s9, s14, $0xb8;
	[tilespmem:$0x19A28] =	vst v63  }
0x36: {  	_ =	swait.ge [sflag:s10], $0xFA00  }
0x37: {  	s18 =	smov.u32 s20;
	s16 =	sadd.s32 $0x3E80, s16;
	[sflag:s10] =	ssyncset.done $0x0  }
0x38: {  	s17 =	sadd.s32 s17, s8;
	[sflag:s10] =	ssyncadd.s32 $0xFFFF0600  }
0x39: {  	[tilespmem:s9], [sflag:$0x1] =	stream.linear.gather [hbm4b:s17+s3], $0x3E8, $0x38;
	[tilespmem:$0x19A28] =	vst v63  }
0x3a: {  	_ =	swait.ge [sflag:s10], $0x3E8  }
0x3b: {  	[sflag:s10] =	ssyncset.done $0x0  }
0x3c: {  	[sflag:s10] =	ssyncadd.s32 $0xFFFFFC18  }
0x3d: {  	[tilespmem:s13], [sflag:$0x1] =	stream.strided.gather [hbm4b:s16+s11], $0xFA00, s12, s11, $0x38;
	[tilespmem:$0x19A28] =	vst v63  }
0x3e: {  	_ =	swait.ge [sflag:s10], $0xFA00  }
0x3f: {  	[sflag:s10] =	ssyncset.done $0x0  }
0x40: {  	[sflag:s10] =	ssyncadd.s32 $0xFFFF0600  }
0x41: {  	[spmem:s2] =	stream.indirect.scatter.add.f32 [tilespmem:s13], [sflag:$0x1], $0x40, s9, s14, $0xb8;
	[tilespmem:$0x19A28] =	vst v63  }
0x42: {  	_ =	swait.ge [sflag:s10], $0xFA00  }
0x43: {  	[sflag:s10] =	ssyncset.done $0x0  }
0x44: {  	[sflag:s10] =	ssyncadd.s32 $0xFFFF0600  }
0x45: {  	s17 =	simm.s32 @!p0 $0x1;
	s16 =	simm.s32 @!p0 $0xA028;
	[bflag:$0x0] =	sbarrier.arrive $0xFFFF  }
0x46: {  	[tilespmem:s16], [sflag:$0x1] =	stream.linear.gather @!p0 [spmem:s4], $0xFA00, $0x38;
	[tilespmem:$0x19A28] =	vst v63  }
0x47: {  	s15 =	sadd.s32 $0x1, s15;
	_ =	swait.ge @!p0 [sflag:s17], $0xFA00  }
0x48: {  	s18 =	simm.s32 @!p0 $0x40;
	p1 =	sne.s32 s15, s6;
	[sflag:s17] =	ssyncset.done @!p0 $0x0  }
.Ltmp2:
0x49: {  	s19 =	simm.s32 @!p0 $0x80;
	[sflag:s17] =	ssyncadd.s32 @!p0 $0xFFFF0600;
	(pc) =	sbr.rel @p1 .LBB2_1-.Ltmp2, $4  }
0x4a: {  	[hbm4b:s5+s18] =	stream.strided.scatter @!p0 [tilespmem:s16], [sflag:$0x1], $0xFA00, s19, s18, $0x38;
	[tilespmem:$0x19A28] =	vst v63  }
0x4b: {  	_ =	swait.ge @!p0 [sflag:s17], $0xFA00  }
0x4c: {  	[sflag:s17] =	ssyncset.done @!p0 $0x0  }
0x4d: {  	[sflag:s17] =	ssyncadd.s32 @!p0 $0xFFFF0600  }
0x4e: {  	_ =	sfence.sel $0x180000  }
0x4f: {  	[bflag:$0x0] =	sbarrier.arrive $0xFFFF  }
0x50: {  	p0 =	sne.s32 s1, $0x0;
	_ =	strace $0x9000004A  }
0x51: {  	s0 =	sadd.s32 @!p0 $0x100000, s0;
	[bflag:$0x2] =	sbarrier.arrive $0xFFFF  }
0x52: {  	[sflag:s0] =	ssyncadd.tile.s32 @!p0 $0x1;
	_ =	shalt  }
.Lfunc_end2:
_tile_overlayer_lowered:
.L_overlay_start_2:
0x53: {  	(tag) =	ssettag $0x2  }
0x54: {  	s0 =	rddreg [dreg:$0x0];
	s2 =	stileid.u32  }
0x55: {  	s1 =	rddreg [dreg:$0x1];
	p0 =	sne.s32 s2, $0x0  }
0x56: {  	s3 =	rddreg [dreg:$0x2];
	[bflag:$0x3] =	sbarrier.arrive $0xFFFF;
	s2 =	simm.s32 @!p0 $0x1C01  }
0x57: {  	[timem:s3], [sflag:s2] =	dma.local @!p0 [hbm:s0], s1  }
0x58: {  	s0 =	simm.s32 @!p0 $0x1  }
0x59: {  	_ =	swait.ge @!p0 [sflag:s0], s1  }
0x5a: {  	s1 =	ssub.s32 @!p0 $0x0, s1;
	[sflag:s0] =	ssyncset.done @!p0 $0x0  }
0x5b: {  	[sflag:s0] =	ssyncadd.s32 @!p0 s1  }
0x5c: {  	[bflag:$0x3] =	sbarrier.arrive $0xFFFF  }
0x5d: {  	_ =	shalt  }

// kernel: kernel.14.cloned.1.call-start
scs
__scs_entry_jumppad:
0x0: {  	(pc) =	sbr.rel $0x88, $3  }
0x1: {  	(tag) =	ssettag $0x0;
	lr =	simm.s32 $0x1  }
0x2: {  	[smem:$0x3F96] =	sst lr;
	_ =	strace $0xD0000000  }
0x3: {  	_ = 	snop  }
0x4: {  	_ = 	snop  }
0x5: {  	_ = 	snop  }
0x6: {  	_ = 	snop  }
0x7: {  	_ = 	snop  }
__scs_overlays_trampoline_lowered:
0x8: {  	[smem:$0x3FA5] =	sst s0  }
0x9: {  	[smem:$0x3FA6] =	sst s1  }
0xa: {  	[smem:$0x3FA7] =	sst s2  }
0xb: {  	[smem:$0x3FA8] =	sst s3  }
0xc: {  	[smem:$0x3FA9] =	sst s4  }
0xd: {  	[smem:$0x3FAA] =	sst s5  }
0xe: {  	[smem:$0x3FAB] =	sst s6  }
0xf: {  	[smem:$0x3FAC] =	sst s7  }
0x10: {  	[smem:$0x3FAD] =	sst s8  }
0x11: {  	[smem:$0x3FAE] =	sst s9;
	s0 =	simm.s32 @!p0 $0x0  }
0x12: {  	s1 =	sld [smem:$0x3F94];
	s0 =	simm.s32 @p0 $0x1  }
0x13: {  	[smem:$0x3FAF] =	sst s0;
	s0 =	simm.s32 @!p1 $0x0  }
0x14: {  	s2 =	sld [smem:$0x3F93];
	s0 =	simm.s32 @p1 $0x1  }
0x15: {  	[smem:$0x3FB0] =	sst s0;
	s0 =	simm.s32 @!p2 $0x0  }
0x16: {  	s3 =	sld [smem:$0x3FDB];
	s0 =	simm.s32 @p2 $0x1  }
0x17: {  	s4 =	simm.s32 $0x1BF5;
	[smem:$0x3FB2] =	sst s0  }
0x18: {  	s0 =	sld [smem:$0x3F95];
	_ =	swait.ge [sflag:s4], $0x0  }
0x19: {  	s7 =	sld [smem:$0x3F96]  }
0x1a: {  	s8 =	sadd.s32 $0xFFFFE003, lr  }
0x1b: {  	s9 =	sadd.s32 $0xFFFFFEF7, lr;
	s5 =	simm.s32 $0xFFFFFFFF;
	p2 =	slt.u32 s8, $0xFFFFF086  }
0x1c: {  	p1 =	slt.u32 s9, $0xF7A;
	s5 =	simm.s32 @!p2 $0x0  }
0x1d: {  	s5 =	simm.s32 @p1 $0x1;
	p0 =	seq.s32 s7, s2  }
0x1e: {  	s7 =	smul.u32 @!p0 $0xF7A, s2;
	p2 =	seq.s32 @!p0 s5, $0x0  }
0x1f: {  	s9 =	smul.u32 $0xF7A, s1;
	s8 =	simm.s32 @!p0 $0x1BF5;
	p2 =	por !p2, p0  }
0x20: {  	[sflag:s8] =	ssyncset.s32 @!p0 $0xFFFFF086;
	s6 =	sadd.s32 @!p0 s3, s7;
	s7 =	simm.s32 @!p0 $0x108  }
0x21: {  	s3 =	sadd.s32 s3, s9;
	s6 =	sadd.s32 @!p0 $0x88, s6;
	s7 =	simm.s32 @p2 $0x1082  }
0x22: {  	[simem:s7], [sflag:s8] =	dma.local @!p0 [hbm:s6], $0xF7A  }
0x23: {  	s9 =	sor.u32 $0xD0000000, s2;
	s6 =	simm.s32 $0x108;
	_ =	swait.ge @!p0 [sflag:s8], $0x0  }
0x24: {  	s3 =	sadd.s32 $0x88, s3;
	s6 =	simm.s32 @!p1 $0x1082;
	[sflag:s4] =	ssyncset.s32 $0xFFFFF086  }
0x25: {  	[simem:s6], [sflag:s4] =	dma.local [hbm:s3], $0xF7A  }
0x26: {  	[smem:$0x3F96] =	sst s1;
	(tag) =	ssettag s2;
	_ =	strace s9  }
0x27: {  	s1 =	sld [smem:$0x3FA6]  }
0x28: {  	s2 =	sld [smem:$0x3FA7]  }
0x29: {  	s4 =	sld [smem:$0x3FA9]  }
0x2a: {  	p0 =	seq.s32 s5, $0x0;
	s5 =	sld [smem:$0x3FAA]  }
0x2b: {  	s6 =	sld [smem:$0x3FAB]  }
0x2c: {  	s7 =	sld [smem:$0x3FAC]  }
0x2d: {  	s3 =	simm.s32 $0x108;
	s8 =	sld [smem:$0x3FAD]  }
0x2e: {  	s3 =	simm.s32 @!p0 $0x1082;
	s9 =	sld [smem:$0x3FAE]  }
0x2f: {  	lr =	sadd.s32 s0, s3;
	s0 =	sld [smem:$0x3FA5]  }
0x30: {  	s3 =	sld [smem:$0x3FA8]  }
0x31: {  	[smem:$0x3FB1] =	sst s10  }
0x32: {  	s10 =	sld [smem:$0x3FAF];
	_ =	sdelay $0x3  }
0x33: {  	p0 =	seq.s32 s10, $0x1;
	s10 =	sld [smem:$0x3FB1];
	_ =	sdelay $0x3  }
0x34: {  	[smem:$0x3FB1] =	sst s10  }
0x35: {  	s10 =	sld [smem:$0x3FB0];
	_ =	sdelay $0x3  }
0x36: {  	p1 =	seq.s32 s10, $0x1;
	s10 =	sld [smem:$0x3FB1];
	_ =	sdelay $0x3  }
0x37: {  	[smem:$0x3FB1] =	sst s10  }
0x38: {  	s10 =	sld [smem:$0x3FB2]  }
0x39: {  	_ = 	snop;
	(pc) =	sbr.ind lr, $3  }
0x3a: {  	_ = 	snop  }
0x3b: {  	_ = 	snop  }
0x3c: {  	p2 =	seq.s32 s10, $0x1;
	s10 =	sld [smem:$0x3FB1]  }
0x3d: {  	_ =	shalt  }
0x3e: {  	_ =	shalt  }
0x3f: {  	_ =	shalt  }
0x40: {  	_ =	shalt  }
0x41: {  	_ =	shalt  }
0x42: {  	_ =	shalt  }
0x43: {  	_ =	shalt  }
0x44: {  	_ =	shalt  }
0x45: {  	_ =	shalt  }
0x46: {  	_ =	shalt  }
0x47: {  	_ =	shalt  }
0x48: {  	_ =	shalt  }
0x49: {  	_ =	shalt  }
0x4a: {  	_ =	shalt  }
0x4b: {  	_ =	shalt  }
0x4c: {  	_ =	shalt  }
0x4d: {  	_ =	shalt  }
0x4e: {  	_ =	shalt  }
0x4f: {  	_ =	shalt  }
0x50: {  	_ =	shalt  }
0x51: {  	_ =	shalt  }
0x52: {  	_ =	shalt  }
0x53: {  	_ =	shalt  }
0x54: {  	_ =	shalt  }
0x55: {  	_ =	shalt  }
0x56: {  	_ =	shalt  }
0x57: {  	_ =	shalt  }
0x58: {  	_ =	shalt  }
0x59: {  	_ =	shalt  }
0x5a: {  	_ =	shalt  }
0x5b: {  	_ =	shalt  }
0x5c: {  	_ =	shalt  }
0x5d: {  	_ =	shalt  }
0x5e: {  	_ =	shalt  }
0x5f: {  	_ =	shalt  }
0x60: {  	_ =	shalt  }
0x61: {  	_ =	shalt  }
0x62: {  	_ =	shalt  }
0x63: {  	_ =	shalt  }
0x64: {  	_ =	shalt  }
0x65: {  	_ =	shalt  }
0x66: {  	_ =	shalt  }
0x67: {  	_ =	shalt  }
0x68: {  	_ =	shalt  }
0x69: {  	_ =	shalt  }
0x6a: {  	_ =	shalt  }
0x6b: {  	_ =	shalt  }
0x6c: {  	_ =	shalt  }
0x6d: {  	_ =	shalt  }
0x6e: {  	_ =	shalt  }
0x6f: {  	_ =	shalt  }
0x70: {  	_ =	shalt  }
0x71: {  	_ =	shalt  }
0x72: {  	_ =	shalt  }
0x73: {  	_ =	shalt  }
0x74: {  	_ =	shalt  }
0x75: {  	_ =	shalt  }
0x76: {  	_ =	shalt  }
0x77: {  	_ =	shalt  }
0x78: {  	_ =	shalt  }
0x79: {  	_ =	shalt  }
0x7a: {  	_ =	shalt  }
0x7b: {  	_ =	shalt  }
0x7c: {  	_ =	shalt  }
0x7d: {  	_ =	shalt  }
0x7e: {  	_ =	shalt  }
0x7f: {  	_ =	shalt  }
0x80: {  	_ =	shalt  }
0x81: {  	_ =	shalt  }
0x82: {  	_ =	shalt  }
0x83: {  	_ =	shalt  }
0x84: {  	_ =	shalt  }
0x85: {  	_ =	shalt  }
0x86: {  	_ =	shalt  }
0x87: {  	_ =	shalt  }
.Lfunc_end0:
.L_simem_size_0:
called_computation.2_lowered:
.L_overlay_start_0:
0x88: {  	s2 =	sld [smem:$0x3FD9]  }
0x89: {  	s3 =	sld [smem:$0x3FFE];
	_ =	sdelay $0x1  }
0x8a: {  	s1 =	srdreg.scid  }
0x8b: {  	s0 =	sand.u32 $0x1, s1  }
0x8c: {  	s17 =	sshll.u32 s0, $0xA;
	s2 =	sadd.s32 s3, s2  }
0x8d: {  	s2 =	sadd.s32 s2, s17  }
0x8e: {  	[smem:$0x3FBD] =	sst s2  }
0x8f: {  	_ = 	snop  }
0x90: {  	s4 =	sld [smem:$0x3FC6]  }
0x91: {  	s18 =	sld [smem:$0x3FD0];
	(tm) =	ssettm $0x1  }
0x92: {  	s19 =	sld [smem:$0x3FFB];
	_ =	sdelay $0x3  }
0x93: {  	_ =	strace s19  }
0x94: {  	s2 =	sld [smem:$0x3FFC];
	_ =	sdelay $0x3  }
0x95: {  	_ =	strace s2  }
0x96: {  	s2 =	sld [smem:$0x3FFD];
	_ =	sdelay $0x3  }
0x97: {  	_ =	strace s2  }
0x98: {  	_ =	strace $0x8FFFFFFF  }
0x99: {  	s20 =	sld [smem:$0x3FDB];
	_ =	sdelay $0x1  }
0x9a: {  	s5 =	simm.s32 $_scs_section_size  }
0x9b: {  	s6 =	simm.s32 $_size__tile_overlayer_lowered;
	s7 =	simm.s32 $_tile_overlayer_lowered  }
0x9c: {  	s8 =	simm.s32 $0x1BFF;
	s21 =	sshll.u32 s7, $0x1;
	s5 =	sadd.s32 s5, s20  }
0x9d: {  	s22 =	simm.s32 $0x0;
	s6 =	sshll.u32 s6, $0x1;
	s7 =	sadd.s32 s21, s5  }
0x9e: {  	[timem:s22], [sflag:s8] =	dma.local [hbm:s7], s6  }
0x9f: {  	_ =	swait.ge [sflag:s8], s6  }
0xa0: {  	s6 =	ssub.s32 $0x0, s6;
	[sflag:s8] =	ssyncset.done $0x0  }
0xa1: {  	[sflag:s8] =	ssyncadd.s32 s6;
	_ =	sdelay $0x1  }
0xa2: {  	s23 =	simm.s32 $0x1B8B  }
0xa3: {  	_ =	swait.ge [sflag:s23], $0x1  }
0xa4: {  	[sflag:s23] =	ssyncset.done $0x0  }
0xa5: {  	[sflag:s23] =	ssyncadd.s32 $0xFFFFFFFF  }
0xa6: {  	s6 =	sld [smem:$0x0]  }
0xa7: {  	s7 =	sand.u32 $0xFFFFFFFE, s1  }
0xa8: {  	p0 =	sne.s32 s1, s7  }
0xa9: {  	s7 =	sshll.u32 @p0 s7, $0xE  }
0xaa: {  	s7 =	sadd.s32 @p0 $0x11B8D, s7;
	s8 =	sshll.u32 @p0 s6, $0x11  }
0xab: {  	s7 =	sor.u32 @p0 s8, s7  }
0xac: {  	[sflag:s7] =	ssyncadd.remote.s32 @p0 $0x1;
	_ =	sdelay $0x1  }
0xad: {  	s7 =	simm.s32 @p0 $0x1B8D  }
0xae: {  	_ =	swait.eq @p0 [sflag:s7], $0x1  }
0xaf: {  	[sflag:s7] =	ssyncadd.s32 @p0 $0xFFFFFFFF  }
0xb0: {  	s8 =	sshll.u32 @!p0 s1, $0xE  }
0xb1: {  	s8 =	sor.u32 @!p0 $0x4000, s8;
	s7 =	simm.s32 @!p0 $0x1B8D  }
0xb2: {  	s6 =	sshll.u32 @!p0 s6, $0x11;
	s8 =	sadd.s32 @!p0 $0x11B8D, s8;
	_ =	swait.eq @!p0 [sflag:s7], $0x1  }
0xb3: {  	s6 =	sor.u32 @!p0 s6, s8;
	[sflag:s7] =	ssyncadd.s32 @!p0 $0xFFFFFFFF  }
0xb4: {  	s25 =	simm.s32 $0x1B8E;
	s24 =	sld [smem:$0x3FFE];
	[sflag:s6] =	ssyncadd.remote.s32 @!p0 $0x1  }
0xb5: {  	s26 =	simm.s32 $execute0_lowered;
	[smem:$0x3FD2] =	sst s25  }
0xb6: {  	s7 =	sshll.u32 s26, $0x1;
	_ =	strace $0x8000004C;
	[dreg:$0x1] =	wrdreg $0xFFFFFFFF  }
0xb7: {  	s28 =	simm.s32 $_size_execute0_lowered;
	s5 =	sadd.s32 s5, s7;
	[dreg:$0x0] =	wrdreg $0x0  }
0xb8: {  	s7 =	sshll.u32 s28, $0x1;
	[dreg:$0x2] =	wrdreg s5  }
0xb9: {  	[dreg:$0x3] =	wrdreg s7  }
0xba: {  	[dreg:$0x4] =	wrdreg $0xC0  }
0xbb: {  	_ =	task [dreg:s22], $0x5FFFF  }
0xbc: {  	[dreg:$0x1] =	wrdreg $0xFFFFFFFF  }
0xbd: {  	[dreg:$0x0] =	wrdreg $0x60  }
0xbe: {  	[dreg:$0x2] =	wrdreg s4  }
0xbf: {  	[dreg:$0x3] =	wrdreg s24  }
0xc0: {  	[dreg:$0x4] =	wrdreg s18  }
0xc1: {  	[dreg:$0x5] =	wrdreg $0x0  }
0xc2: {  	[dreg:$0x6] =	wrdreg $0xA  }
0xc3: {  	_ =	task.clear_ibuf [dreg:s22], $0x7FFFF;
	_ =	strace $0x9000004C  }
0xc4: {  	s29 =	simm.s32 $0xA;
	_ =	strace $0x8000004E  }
0xc5: {  	_ =	swait.ge [sflag:s29], $0x1  }
0xc6: {  	[sflag:s29] =	ssyncadd.s32 $0xFFFFFFFF  }
0xc7: {  	_ =	strace $0x9000004E  }
0xc8: {  	_ =	sfence  }
0xc9: {  	s30 =	sld [smem:$0x0];
	_ =	sdelay $0x2  }
0xca: {  	s31 =	sshll.u32 s1, $0xD;
	s1 =	sshrl.u32 s1, $0x2  }
0xcb: {  	s4 =	sand.u32 $0x4000, s31;
	s1 =	sadd.s32 s1, s30  }
0xcc: {  	s0 =	sor.u32 s4, s0;
	s1 =	sshll.u32 s1, $0x11  }
0xcd: {  	s0 =	sor.u32 s1, s0  }
0xce: {  	s0 =	sadd.s32 $0x8F2B, s0  }
0xcf: {  	[sflag:s0] =	ssyncadd.remote.s32 $0x1  }
0xd0: {  	_ =	sfence.sel $0xFFFF  }
0xd1: {  	[dreg:$0x0] =	wrdreg $0xFFFFFFFF;
	(pc) =	sbr.abs _section_cstart, $3  }
0xd2: {  	[dreg:$0x1] =	wrdreg $0xFFFFFFFF  }
0xd3: {  	_ =	task.clear_ibuf [dreg:s22], $0x2FFFF;
	_ =	strace $0x9FFFFFFF  }
0xd4: {  	(tm) =	ssettm $0x7FFFFFFF  }
0xd5: {  	_ =	shalt  }
tec
execute0_lowered:
.L_overlay_start_1:
0x0: {  	(tag) =	ssettag $0x1  }
0x1: {  	s8 =	rddreg [dreg:$0x0]  }
0x2: {  	s4 =	rddreg [dreg:$0x1]  }
0x3: {  	s5 =	rddreg [dreg:$0x2]  }
0x4: {  	s2 =	rddreg [dreg:$0x3]  }
0x5: {  	s0 =	rddreg [dreg:$0x4];
	s1 =	stileid.u32  }
0x6: {  	s6 =	srdreg.scid;
	s3 =	simm.s32 $0x0;
	s7 =	smul.u32 $0xFA000, s1  }
0x7: {  	s12 =	simm.s32 $0x80;
	s13 =	simm.s32 $0xA028;
	s10 =	smul.u32 $0x1F400, s1  }
0x8: {  	s14 =	simm.s32 $0x3E8;
	s15 =	simm.s32 $0x0;
	s11 =	smul.u32 $0x3E800, s1  }
0x9: {  	s6 =	sand.u32 $0x1, s6;
	[smem:$0x7FF] =	sst s3;
	s31 =	smul.u32 $0x3E8, s1  }
0xa: {  	p0 =	sgt.u32 s1, $0x9;
	s9 =	sshll.u32 s6, $0x6;
	s6 =	ssub.s32 $0x2, s6  }
0xb: {  	_ =	strace $0x8000004D;
	s7 =	sor.u32 s9, s7;
	s29 =	sshrl.u32 s6, $0x1  }
0xc: {  	s9 =	sor.u32 s9, s10;
	s30 =	sshrl.u32 s11, $0x2;
	s8 =	sadd.s32 s31, s8  }
0xd: {  	s10 =	simm.s32 $0x1;
	s11 =	simm.s32 $0x40;
	s7 =	sshrl.u32 s7, $0x3  }
0xe: {  	s9 =	sshrl.u32 s9, $0x3;
	s6 =	ssub.s32 s6, s29;
	s8 =	sadd.s32 $0x5DC0, s8  }
0xf: {  	s7 =	sadd.s32 s7, s4;
	s4 =	sadd.s32 s30, s2;
	s5 =	sadd.s32 s5, s9  }
0x10: {  	v0 =	vimm.f32 $0.0e+00;
	s6 =	smax.u32 s6, $0x1;
	s9 =	simm.s32 $0x9C40;
	s7 =	sadd.s32 $0x7F9200, s7  }
.LBB2_1:
0x11: {  	s17 =	simm.s32 $0x100;
	s16 =	simm.s32 $0x0  }
.LBB2_2:
0x12: {  	p1 =	sne.s32 s17, $0x3E700;
	[tilespmem:s16+$0xA058] =	vst v0;
	s18 =	smov.u32 s17;
	s17 =	sadd.s32 $0x100, s17  }
.Ltmp0:
0x13: {  	[tilespmem:s16+$0xA048] =	vst v0;
	(pc) =	sbr.rel @p1 .LBB2_2-.Ltmp0, $3  }
0x14: {  	[tilespmem:s16+$0xA028] =	vst v0  }
0x15: {  	[tilespmem:s16+$0xA038] =	vst v0;
	_ =	sdelay $0x1  }
0x16: {  	s16 =	sshra.s32 s18, $0x2  }
0x17: {  	[tilespmem:s16+$0xA058] =	vst v0  }
0x18: {  	[tilespmem:s16+$0xA048] =	vst v0  }
0x19: {  	[tilespmem:s16+$0xA028] =	vst v0  }
0x1a: {  	[tilespmem:s16+$0xA038] =	vst v0;
	s16 =	simm.s32 @!p0 $0xA028  }
0x1b: {  	[spmem:s4] =	stream.linear.scatter @!p0 [tilespmem:s16], [sflag:$0x1], $0xFA00, $0x38;
	[tilespmem:$0x19A28] =	vst v63  }
0x1c: {  	s16 =	simm.s32 @!p0 $0x1  }
0x1d: {  	_ =	swait.ge @!p0 [sflag:s16], $0xFA00  }
0x1e: {  	[sflag:s16] =	ssyncset.done @!p0 $0x0  }
0x1f: {  	[sflag:s16] =	ssyncadd.s32 @!p0 $0xFFFF0600  }
0x20: {  	s31 =	sadd.s32 $0x0, s8;
	[bflag:$0x0] =	sbarrier.arrive $0xFFFF  }
0x21: {  	[tilespmem:s9], [sflag:$0x1] =	stream.linear.gather [hbm4b:s31+s3], $0x3E8, $0x38;
	[tilespmem:$0x19A28] =	vst v63  }
0x22: {  	_ =	swait.ge [sflag:s10], $0x3E8  }
0x23: {  	[sflag:s10] =	ssyncset.done $0x0  }
0x24: {  	[sflag:s10] =	ssyncadd.s32 $0xFFFFFC18  }
0x25: {  	[tilespmem:s13], [sflag:$0x1] =	stream.strided.gather [hbm4b:s7+s11], $0xFA00, s12, s11, $0x38;
	[tilespmem:$0x19A28] =	vst v63  }
0x26: {  	_ =	swait.ge [sflag:s10], $0xFA00  }
0x27: {  	[sflag:s10] =	ssyncset.done $0x0  }
0x28: {  	[sflag:s10] =	ssyncadd.s32 $0xFFFF0600  }
0x29: {  	[spmem:s2] =	stream.indirect.scatter.add.f32 [tilespmem:s13], [sflag:$0x1], $0x40, s9, s14, $0xb8;
	[tilespmem:$0x19A28] =	vst v63  }
0x2a: {  	s17 =	simm.s32 $0x7D;
	_ =	swait.ge [sflag:s10], $0xFA00  }
0x2b: {  	s18 =	simm.s32 $0xFA;
	s16 =	sadd.s32 $0x3E80, s7;
	[sflag:s10] =	ssyncset.done $0x0  }
.LBB2_4:
0x2c: {  	s19 =	sadd.s32 s17, s8  }
0x2d: {  	[sflag:s10] =	ssyncadd.s32 $0xFFFF0600;
	s17 =	smov.u32 s18;
	s20 =	sadd.s32 $0x7D, s18  }
0x2e: {  	[tilespmem:s9], [sflag:$0x1] =	stream.linear.gather [hbm4b:s19+s3], $0x3E8, $0x38;
	[tilespmem:$0x19A28] =	vst v63  }
0x2f: {  	p1 =	sne.s32 s18, $0x36B;
	_ =	swait.ge [sflag:s10], $0x3E8  }
0x30: {  	[sflag:s10] =	ssyncset.done $0x0  }
0x31: {  	[sflag:s10] =	ssyncadd.s32 $0xFFFFFC18  }
0x32: {  	[tilespmem:s13], [sflag:$0x1] =	stream.strided.gather [hbm4b:s16+s11], $0xFA00, s12, s11, $0x38;
	[tilespmem:$0x19A28] =	vst v63  }
0x33: {  	_ =	swait.ge [sflag:s10], $0xFA00  }
.Ltmp1:
0x34: {  	[sflag:s10] =	ssyncset.done $0x0;
	(pc) =	sbr.rel @p1 .LBB2_4-.Ltmp1, $4  }
0x35: {  	[sflag:s10] =	ssyncadd.s32 $0xFFFF0600  }
0x36: {  	[spmem:s2] =	stream.indirect.scatter.add.f32 [tilespmem:s13], [sflag:$0x1], $0x40, s9, s14, $0xb8;
	[tilespmem:$0x19A28] =	vst v63  }
0x37: {  	_ =	swait.ge [sflag:s10], $0xFA00  }
0x38: {  	s18 =	smov.u32 s20;
	s16 =	sadd.s32 $0x3E80, s16;
	[sflag:s10] =	ssyncset.done $0x0  }
0x39: {  	s17 =	sadd.s32 s17, s8;
	[sflag:s10] =	ssyncadd.s32 $0xFFFF0600  }
0x3a: {  	[tilespmem:s9], [sflag:$0x1] =	stream.linear.gather [hbm4b:s17+s3], $0x3E8, $0x38;
	[tilespmem:$0x19A28] =	vst v63  }
0x3b: {  	_ =	swait.ge [sflag:s10], $0x3E8  }
0x3c: {  	[sflag:s10] =	ssyncset.done $0x0  }
0x3d: {  	[sflag:s10] =	ssyncadd.s32 $0xFFFFFC18  }
0x3e: {  	[tilespmem:s13], [sflag:$0x1] =	stream.strided.gather [hbm4b:s16+s11], $0xFA00, s12, s11, $0x38;
	[tilespmem:$0x19A28] =	vst v63  }
0x3f: {  	_ =	swait.ge [sflag:s10], $0xFA00  }
0x40: {  	[sflag:s10] =	ssyncset.done $0x0  }
0x41: {  	[sflag:s10] =	ssyncadd.s32 $0xFFFF0600  }
0x42: {  	[spmem:s2] =	stream.indirect.scatter.add.f32 [tilespmem:s13], [sflag:$0x1], $0x40, s9, s14, $0xb8;
	[tilespmem:$0x19A28] =	vst v63  }
0x43: {  	_ =	swait.ge [sflag:s10], $0xFA00  }
0x44: {  	[sflag:s10] =	ssyncset.done $0x0  }
0x45: {  	[sflag:s10] =	ssyncadd.s32 $0xFFFF0600  }
0x46: {  	s17 =	simm.s32 @!p0 $0x1;
	s16 =	simm.s32 @!p0 $0xA028;
	[bflag:$0x0] =	sbarrier.arrive $0xFFFF  }
0x47: {  	[tilespmem:s16], [sflag:$0x1] =	stream.linear.gather @!p0 [spmem:s4], $0xFA00, $0x38;
	[tilespmem:$0x19A28] =	vst v63  }
0x48: {  	s15 =	sadd.s32 $0x1, s15;
	_ =	swait.ge @!p0 [sflag:s17], $0xFA00  }
0x49: {  	s18 =	simm.s32 @!p0 $0x40;
	p1 =	sne.s32 s15, s6;
	[sflag:s17] =	ssyncset.done @!p0 $0x0  }
.Ltmp2:
0x4a: {  	s19 =	simm.s32 @!p0 $0x80;
	[sflag:s17] =	ssyncadd.s32 @!p0 $0xFFFF0600;
	(pc) =	sbr.rel @p1 .LBB2_1-.Ltmp2, $4  }
0x4b: {  	[hbm4b:s5+s18] =	stream.strided.scatter @!p0 [tilespmem:s16], [sflag:$0x1], $0xFA00, s19, s18, $0x38;
	[tilespmem:$0x19A28] =	vst v63  }
0x4c: {  	_ =	swait.ge @!p0 [sflag:s17], $0xFA00  }
0x4d: {  	[sflag:s17] =	ssyncset.done @!p0 $0x0  }
0x4e: {  	[sflag:s17] =	ssyncadd.s32 @!p0 $0xFFFF0600  }
0x4f: {  	_ =	sfence.sel $0x180000  }
0x50: {  	[bflag:$0x0] =	sbarrier.arrive $0xFFFF  }
0x51: {  	p0 =	sne.s32 s1, $0x0;
	_ =	strace $0x9000004D  }
0x52: {  	s0 =	sadd.s32 @!p0 $0x100000, s0;
	[bflag:$0x2] =	sbarrier.arrive $0xFFFF  }
0x53: {  	[sflag:s0] =	ssyncadd.tile.s32 @!p0 $0x1;
	_ =	shalt  }
.Lfunc_end2:
_tile_overlayer_lowered:
.L_overlay_start_2:
0x54: {  	(tag) =	ssettag $0x2  }
0x55: {  	s0 =	rddreg [dreg:$0x0];
	s2 =	stileid.u32  }
0x56: {  	s1 =	rddreg [dreg:$0x1];
	p0 =	sne.s32 s2, $0x0  }
0x57: {  	s3 =	rddreg [dreg:$0x2];
	[bflag:$0x3] =	sbarrier.arrive $0xFFFF;
	s2 =	simm.s32 @!p0 $0x1C01  }
0x58: {  	[timem:s3], [sflag:s2] =	dma.local @!p0 [hbm:s0], s1  }
0x59: {  	s0 =	simm.s32 @!p0 $0x1  }
0x5a: {  	_ =	swait.ge @!p0 [sflag:s0], s1  }
0x5b: {  	s1 =	ssub.s32 @!p0 $0x0, s1;
	[sflag:s0] =	ssyncset.done @!p0 $0x0  }
0x5c: {  	[sflag:s0] =	ssyncadd.s32 @!p0 s1  }
0x5d: {  	[bflag:$0x3] =	sbarrier.arrive $0xFFFF  }
0x5e: {  	_ =	shalt  }

// kernel: kernel.8.cloned.1.call-start
scs
__scs_entry_jumppad:
0x0: {  	(pc) =	sbr.rel $0x88, $3  }
0x1: {  	(tag) =	ssettag $0x0;
	lr =	simm.s32 $0x1  }
0x2: {  	[smem:$0x3F96] =	sst lr;
	_ =	strace $0xD0000000  }
0x3: {  	_ = 	snop  }
0x4: {  	_ = 	snop  }
0x5: {  	_ = 	snop  }
0x6: {  	_ = 	snop  }
0x7: {  	_ = 	snop  }
__scs_overlays_trampoline_lowered:
0x8: {  	[smem:$0x3FA5] =	sst s0  }
0x9: {  	[smem:$0x3FA6] =	sst s1  }
0xa: {  	[smem:$0x3FA7] =	sst s2  }
0xb: {  	[smem:$0x3FA8] =	sst s3  }
0xc: {  	[smem:$0x3FA9] =	sst s4  }
0xd: {  	[smem:$0x3FAA] =	sst s5  }
0xe: {  	[smem:$0x3FAB] =	sst s6  }
0xf: {  	[smem:$0x3FAC] =	sst s7  }
0x10: {  	[smem:$0x3FAD] =	sst s8  }
0x11: {  	[smem:$0x3FAE] =	sst s9;
	s0 =	simm.s32 @!p0 $0x0  }
0x12: {  	s1 =	sld [smem:$0x3F94];
	s0 =	simm.s32 @p0 $0x1  }
0x13: {  	[smem:$0x3FAF] =	sst s0;
	s0 =	simm.s32 @!p1 $0x0  }
0x14: {  	s2 =	sld [smem:$0x3F93];
	s0 =	simm.s32 @p1 $0x1  }
0x15: {  	[smem:$0x3FB0] =	sst s0;
	s0 =	simm.s32 @!p2 $0x0  }
0x16: {  	s3 =	sld [smem:$0x3FDB];
	s0 =	simm.s32 @p2 $0x1  }
0x17: {  	s4 =	simm.s32 $0x1BF5;
	[smem:$0x3FB2] =	sst s0  }
0x18: {  	s0 =	sld [smem:$0x3F95];
	_ =	swait.ge [sflag:s4], $0x0  }
0x19: {  	s7 =	sld [smem:$0x3F96]  }
0x1a: {  	s8 =	sadd.s32 $0xFFFFE003, lr  }
0x1b: {  	s9 =	sadd.s32 $0xFFFFFEF7, lr;
	s5 =	simm.s32 $0xFFFFFFFF;
	p2 =	slt.u32 s8, $0xFFFFF086  }
0x1c: {  	p1 =	slt.u32 s9, $0xF7A;
	s5 =	simm.s32 @!p2 $0x0  }
0x1d: {  	s5 =	simm.s32 @p1 $0x1;
	p0 =	seq.s32 s7, s2  }
0x1e: {  	s7 =	smul.u32 @!p0 $0xF7A, s2;
	p2 =	seq.s32 @!p0 s5, $0x0  }
0x1f: {  	s9 =	smul.u32 $0xF7A, s1;
	s8 =	simm.s32 @!p0 $0x1BF5;
	p2 =	por !p2, p0  }
0x20: {  	[sflag:s8] =	ssyncset.s32 @!p0 $0xFFFFF086;
	s6 =	sadd.s32 @!p0 s3, s7;
	s7 =	simm.s32 @!p0 $0x108  }
0x21: {  	s3 =	sadd.s32 s3, s9;
	s6 =	sadd.s32 @!p0 $0x88, s6;
	s7 =	simm.s32 @p2 $0x1082  }
0x22: {  	[simem:s7], [sflag:s8] =	dma.local @!p0 [hbm:s6], $0xF7A  }
0x23: {  	s9 =	sor.u32 $0xD0000000, s2;
	s6 =	simm.s32 $0x108;
	_ =	swait.ge @!p0 [sflag:s8], $0x0  }
0x24: {  	s3 =	sadd.s32 $0x88, s3;
	s6 =	simm.s32 @!p1 $0x1082;
	[sflag:s4] =	ssyncset.s32 $0xFFFFF086  }
0x25: {  	[simem:s6], [sflag:s4] =	dma.local [hbm:s3], $0xF7A  }
0x26: {  	[smem:$0x3F96] =	sst s1;
	(tag) =	ssettag s2;
	_ =	strace s9  }
0x27: {  	s1 =	sld [smem:$0x3FA6]  }
0x28: {  	s2 =	sld [smem:$0x3FA7]  }
0x29: {  	s4 =	sld [smem:$0x3FA9]  }
0x2a: {  	p0 =	seq.s32 s5, $0x0;
	s5 =	sld [smem:$0x3FAA]  }
0x2b: {  	s6 =	sld [smem:$0x3FAB]  }
0x2c: {  	s7 =	sld [smem:$0x3FAC]  }
0x2d: {  	s3 =	simm.s32 $0x108;
	s8 =	sld [smem:$0x3FAD]  }
0x2e: {  	s3 =	simm.s32 @!p0 $0x1082;
	s9 =	sld [smem:$0x3FAE]  }
0x2f: {  	lr =	sadd.s32 s0, s3;
	s0 =	sld [smem:$0x3FA5]  }
0x30: {  	s3 =	sld [smem:$0x3FA8]  }
0x31: {  	[smem:$0x3FB1] =	sst s10  }
0x32: {  	s10 =	sld [smem:$0x3FAF];
	_ =	sdelay $0x3  }
0x33: {  	p0 =	seq.s32 s10, $0x1;
	s10 =	sld [smem:$0x3FB1];
	_ =	sdelay $0x3  }
0x34: {  	[smem:$0x3FB1] =	sst s10  }
0x35: {  	s10 =	sld [smem:$0x3FB0];
	_ =	sdelay $0x3  }
0x36: {  	p1 =	seq.s32 s10, $0x1;
	s10 =	sld [smem:$0x3FB1];
	_ =	sdelay $0x3  }
0x37: {  	[smem:$0x3FB1] =	sst s10  }
0x38: {  	s10 =	sld [smem:$0x3FB2]  }
0x39: {  	_ = 	snop;
	(pc) =	sbr.ind lr, $3  }
0x3a: {  	_ = 	snop  }
0x3b: {  	_ = 	snop  }
0x3c: {  	p2 =	seq.s32 s10, $0x1;
	s10 =	sld [smem:$0x3FB1]  }
0x3d: {  	_ =	shalt  }
0x3e: {  	_ =	shalt  }
0x3f: {  	_ =	shalt  }
0x40: {  	_ =	shalt  }
0x41: {  	_ =	shalt  }
0x42: {  	_ =	shalt  }
0x43: {  	_ =	shalt  }
0x44: {  	_ =	shalt  }
0x45: {  	_ =	shalt  }
0x46: {  	_ =	shalt  }
0x47: {  	_ =	shalt  }
0x48: {  	_ =	shalt  }
0x49: {  	_ =	shalt  }
0x4a: {  	_ =	shalt  }
0x4b: {  	_ =	shalt  }
0x4c: {  	_ =	shalt  }
0x4d: {  	_ =	shalt  }
0x4e: {  	_ =	shalt  }
0x4f: {  	_ =	shalt  }
0x50: {  	_ =	shalt  }
0x51: {  	_ =	shalt  }
0x52: {  	_ =	shalt  }
0x53: {  	_ =	shalt  }
0x54: {  	_ =	shalt  }
0x55: {  	_ =	shalt  }
0x56: {  	_ =	shalt  }
0x57: {  	_ =	shalt  }
0x58: {  	_ =	shalt  }
0x59: {  	_ =	shalt  }
0x5a: {  	_ =	shalt  }
0x5b: {  	_ =	shalt  }
0x5c: {  	_ =	shalt  }
0x5d: {  	_ =	shalt  }
0x5e: {  	_ =	shalt  }
0x5f: {  	_ =	shalt  }
0x60: {  	_ =	shalt  }
0x61: {  	_ =	shalt  }
0x62: {  	_ =	shalt  }
0x63: {  	_ =	shalt  }
0x64: {  	_ =	shalt  }
0x65: {  	_ =	shalt  }
0x66: {  	_ =	shalt  }
0x67: {  	_ =	shalt  }
0x68: {  	_ =	shalt  }
0x69: {  	_ =	shalt  }
0x6a: {  	_ =	shalt  }
0x6b: {  	_ =	shalt  }
0x6c: {  	_ =	shalt  }
0x6d: {  	_ =	shalt  }
0x6e: {  	_ =	shalt  }
0x6f: {  	_ =	shalt  }
0x70: {  	_ =	shalt  }
0x71: {  	_ =	shalt  }
0x72: {  	_ =	shalt  }
0x73: {  	_ =	shalt  }
0x74: {  	_ =	shalt  }
0x75: {  	_ =	shalt  }
0x76: {  	_ =	shalt  }
0x77: {  	_ =	shalt  }
0x78: {  	_ =	shalt  }
0x79: {  	_ =	shalt  }
0x7a: {  	_ =	shalt  }
0x7b: {  	_ =	shalt  }
0x7c: {  	_ =	shalt  }
0x7d: {  	_ =	shalt  }
0x7e: {  	_ =	shalt  }
0x7f: {  	_ =	shalt  }
0x80: {  	_ =	shalt  }
0x81: {  	_ =	shalt  }
0x82: {  	_ =	shalt  }
0x83: {  	_ =	shalt  }
0x84: {  	_ =	shalt  }
0x85: {  	_ =	shalt  }
0x86: {  	_ =	shalt  }
0x87: {  	_ =	shalt  }
.Lfunc_end0:
.L_simem_size_0:
called_computation_lowered:
.L_overlay_start_0:
0x88: {  	s2 =	sld [smem:$0x3FD9]  }
0x89: {  	s3 =	sld [smem:$0x3FFE];
	_ =	sdelay $0x1  }
0x8a: {  	s1 =	srdreg.scid  }
0x8b: {  	s0 =	sand.u32 $0x1, s1  }
0x8c: {  	s18 =	sshll.u32 s0, $0xA;
	s2 =	sadd.s32 s3, s2  }
0x8d: {  	s2 =	sadd.s32 s2, s18  }
0x8e: {  	[smem:$0x3FBD] =	sst s2  }
0x8f: {  	_ = 	snop  }
0x90: {  	s2 =	sld [smem:$0x3FC9]  }
0x91: {  	s19 =	sld [smem:$0x3FC7]  }
0x92: {  	s4 =	sld [smem:$0x3FD0];
	(tm) =	ssettm $0x1  }
0x93: {  	s5 =	sld [smem:$0x3FFB];
	_ =	sdelay $0x3  }
0x94: {  	_ =	strace s5  }
0x95: {  	s5 =	sld [smem:$0x3FFC];
	_ =	sdelay $0x3  }
0x96: {  	_ =	strace s5  }
0x97: {  	s5 =	sld [smem:$0x3FFD];
	_ =	sdelay $0x3  }
0x98: {  	_ =	strace s5  }
0x99: {  	_ =	strace $0x8FFFFFFF  }
0x9a: {  	s20 =	sld [smem:$0x3FDB];
	_ =	sdelay $0x1  }
0x9b: {  	s6 =	simm.s32 $_scs_section_size  }
0x9c: {  	s7 =	simm.s32 $_size__tile_overlayer_lowered;
	s8 =	simm.s32 $_tile_overlayer_lowered  }
0x9d: {  	s23 =	simm.s32 $0x1BFF;
	s22 =	sshll.u32 s8, $0x1;
	s5 =	sadd.s32 s6, s20  }
0x9e: {  	s9 =	simm.s32 $0x0;
	s21 =	sshll.u32 s7, $0x1;
	s7 =	sadd.s32 s22, s5  }
0x9f: {  	[timem:s9], [sflag:s23] =	dma.local [hbm:s7], s21  }
0xa0: {  	_ =	swait.ge [sflag:s23], s21  }
0xa1: {  	s6 =	ssub.s32 $0x0, s21;
	[sflag:s23] =	ssyncset.done $0x0  }
0xa2: {  	[sflag:s23] =	ssyncadd.s32 s6;
	_ =	sdelay $0x1  }
0xa3: {  	s24 =	simm.s32 $0x1B8B  }
0xa4: {  	_ =	swait.ge [sflag:s24], $0x1  }
0xa5: {  	[sflag:s24] =	ssyncset.done $0x0  }
0xa6: {  	s25 =	simm.s32 $0x1B8E;
	[sflag:s24] =	ssyncadd.s32 $0xFFFFFFFF  }
0xa7: {  	s26 =	simm.s32 $execute0_lowered;
	[smem:$0x3FD2] =	sst s25  }
0xa8: {  	s6 =	sshll.u32 s26, $0x1;
	_ =	strace $0x80000046;
	[dreg:$0x1] =	wrdreg $0xFFFFFFFF  }
0xa9: {  	s28 =	simm.s32 $_size_execute0_lowered;
	s5 =	sadd.s32 s5, s6;
	[dreg:$0x0] =	wrdreg $0x0  }
0xaa: {  	s6 =	sshll.u32 s28, $0x1;
	[dreg:$0x2] =	wrdreg s5  }
0xab: {  	[dreg:$0x3] =	wrdreg s6  }
0xac: {  	[dreg:$0x4] =	wrdreg $0xC0  }
0xad: {  	_ =	task [dreg:s9], $0x5FFFF  }
0xae: {  	[dreg:$0x1] =	wrdreg $0xFFFFFFFF  }
0xaf: {  	[dreg:$0x0] =	wrdreg $0x60  }
0xb0: {  	[dreg:$0x2] =	wrdreg s2  }
0xb1: {  	[dreg:$0x3] =	wrdreg s19  }
0xb2: {  	[dreg:$0x4] =	wrdreg s4  }
0xb3: {  	[dreg:$0x5] =	wrdreg $0x9  }
0xb4: {  	_ =	task.clear_ibuf [dreg:s9], $0x6FFFF;
	_ =	strace $0x90000046  }
0xb5: {  	s29 =	simm.s32 $0x9;
	_ =	strace $0x80000048  }
0xb6: {  	_ =	swait.ge [sflag:s29], $0x1  }
0xb7: {  	[sflag:s29] =	ssyncadd.s32 $0xFFFFFFFF  }
0xb8: {  	_ =	strace $0x90000048  }
0xb9: {  	_ =	sfence  }
0xba: {  	s30 =	sld [smem:$0x0];
	_ =	sdelay $0x2  }
0xbb: {  	s31 =	sshll.u32 s1, $0xD;
	s1 =	sshrl.u32 s1, $0x2  }
0xbc: {  	s3 =	sand.u32 $0x4000, s31;
	s1 =	sadd.s32 s1, s30  }
0xbd: {  	s0 =	sor.u32 s3, s0;
	s1 =	sshll.u32 s1, $0x11  }
0xbe: {  	s0 =	sor.u32 s1, s0  }
0xbf: {  	s0 =	sadd.s32 $0x8F2B, s0  }
0xc0: {  	[sflag:s0] =	ssyncadd.remote.s32 $0x1  }
0xc1: {  	_ =	sfence.sel $0xFFFF  }
0xc2: {  	[dreg:$0x0] =	wrdreg $0xFFFFFFFF;
	(pc) =	sbr.abs _section_cstart, $3  }
0xc3: {  	[dreg:$0x1] =	wrdreg $0xFFFFFFFF  }
0xc4: {  	_ =	task.clear_ibuf [dreg:s9], $0x2FFFF;
	_ =	strace $0x9FFFFFFF  }
0xc5: {  	(tm) =	ssettm $0x7FFFFFFF  }
tec
execute0_lowered:
.L_overlay_start_1:
0x0: {  	(tag) =	ssettag $0x1  }
0x1: {  	s0 =	rddreg [dreg:$0x0]  }
0x2: {  	s1 =	srdreg.scid;
	s4 =	rddreg [dreg:$0x1]  }
0x3: {  	s6 =	rddreg [dreg:$0x2];
	s5 =	sand.u32 $0x1, s1  }
0x4: {  	s2 =	stileid.u32;
	s9 =	simm.s32 $0x4F00;
	s3 =	sshll.u32 s5, $0x4  }
0x5: {  	s1 =	rddreg [dreg:$0x3];
	s5 =	ssub.s32 $0x2, s5;
	s7 =	sor.u32 s2, s3  }
0x6: {  	s3 =	simm.s32 $0x0;
	s8 =	sshrl.u32 s5, $0x1;
	s7 =	smul.u32 $0x4E2, s7  }
0x7: {  	s10 =	simm.s32 $0x0;
	[smem:$0x7FF] =	sst s3;
	s8 =	ssub.s32 s5, s8  }
0x8: {  	_ =	strace $0x80000047;
	s4 =	sadd.s32 s4, s7;
	s5 =	sadd.s32 s6, s7  }
0x9: {  	s6 =	smax.u32 s8, $0x1;
	s7 =	simm.s32 $0x1;
	s8 =	simm.s32 $0x2780  }
.LBB2_1:
0xa: {  	[tilespmem:s3], [sflag:$0x1] =	stream.linear.gather [hbm4b:s0+s3], $0x2780, $0x38;
	[tilespmem:$0x7680] =	vst v63  }
0xb: {  	_ =	swait.ge [sflag:s7], $0x2780  }
0xc: {  	[sflag:s7] =	ssyncset.done $0x0  }
0xd: {  	[sflag:s7] =	ssyncadd.s32 $0xFFFFD880  }
0xe: {  	[tilespmem:s8], [sflag:$0x1] =	stream.linear.gather [hbm4b:s4+s3], $0x2710, $0x38;
	[tilespmem:$0x7680] =	vst v63  }
0xf: {  	_ =	swait.ge [sflag:s7], $0x2710  }
0x10: {  	[sflag:s7] =	ssyncset.done $0x0  }
0x11: {  	s11 =	simm.s32 $0x0;
	[sflag:s7] =	ssyncadd.s32 $0xFFFFD8F0  }
0x12: {  	v0 =	vld [tilespmem:s11+$0x2780];
	_ =	sdelay $0x7  }
0x13: {  	s12 =	simm.s32 $0x10;
	s13 =	simm.s32 $0x80;
	v0 =	vld.idx.msk [tilespmem:v0+s3+$0x0], $0xffff  }
.LBB2_2:
0x14: {  	p0 =	sne.s32 s13, $0x9C00;
	v1 =	vld [tilespmem:s12+$0x2780];
	_ =	sdelay $0x3  }
.Ltmp0:
0x15: {  	(pc) =	sbr.rel @p0 .LBB2_2-.Ltmp0, $2  }
0x16: {  	[tilespmem:s11+$0x4F00] =	vst v0;
	s11 =	smov.u32 s12;
	_ =	sdelay $0x2  }
0x17: {  	s12 =	sshra.s32 s13, $0x2;
	s13 =	sadd.s32 $0x40, s13;
	v0 =	vld.idx.msk [tilespmem:v1+s3+$0x0], $0xffff  }
0x18: {  	v1 =	vld [tilespmem:s12+$0x2780];
	_ =	sdelay $0x6  }
0x19: {  	[tilespmem:s11+$0x4F00] =	vst v0  }
0x1a: {  	v0 =	vld.idx.msk [tilespmem:v1+s3+$0x0], $0xffff;
	_ =	sdelay $0x2  }
0x1b: {  	s10 =	sadd.s32 $0x1, s10  }
0x1c: {  	p0 =	sne.s32 s10, s6  }
.Ltmp1:
0x1d: {  	[tilespmem:s12+$0x4F00] =	vst v0;
	(pc) =	sbr.rel @p0 .LBB2_1-.Ltmp1, $4  }
0x1e: {  	[hbm4b:s5+s3] =	stream.linear.scatter [tilespmem:s9], [sflag:$0x1], $0x2710, $0x38;
	[tilespmem:$0x7680] =	vst v63  }
0x1f: {  	_ =	swait.ge [sflag:s7], $0x2710  }
0x20: {  	[sflag:s7] =	ssyncset.done $0x0  }
0x21: {  	[sflag:s7] =	ssyncadd.s32 $0xFFFFD8F0  }
0x22: {  	_ =	sfence.sel $0x180000  }
0x23: {  	[bflag:$0x0] =	sbarrier.arrive $0xFFFF  }
0x24: {  	p0 =	sne.s32 s2, $0x0;
	_ =	strace $0x90000047  }
0x25: {  	s0 =	sadd.s32 @!p0 $0x100000, s1;
	[bflag:$0x2] =	sbarrier.arrive $0xFFFF  }
0x26: {  	[sflag:s0] =	ssyncadd.tile.s32 @!p0 $0x1;
	_ =	shalt  }
.Lfunc_end2:
_tile_overlayer_lowered:
.L_overlay_start_2:
0x27: {  	(tag) =	ssettag $0x2  }
0x28: {  	s0 =	rddreg [dreg:$0x0];
	s2 =	stileid.u32  }
0x29: {  	s1 =	rddreg [dreg:$0x1];
	p0 =	sne.s32 s2, $0x0  }
0x2a: {  	s3 =	rddreg [dreg:$0x2];
	[bflag:$0x3] =	sbarrier.arrive $0xFFFF;
	s2 =	simm.s32 @!p0 $0x1C01  }
0x2b: {  	[timem:s3], [sflag:s2] =	dma.local @!p0 [hbm:s0], s1  }
0x2c: {  	s0 =	simm.s32 @!p0 $0x1  }
0x2d: {  	_ =	swait.ge @!p0 [sflag:s0], s1  }
0x2e: {  	s1 =	ssub.s32 @!p0 $0x0, s1;
	[sflag:s0] =	ssyncset.done @!p0 $0x0  }
0x2f: {  	[sflag:s0] =	ssyncadd.s32 @!p0 s1  }
0x30: {  	[bflag:$0x3] =	sbarrier.arrive $0xFFFF  }
0x31: {  	_ =	shalt  }

</sc_bundles>
